<compile_context>
chip_gen: v7x
topology: tpu7x:2x2x1
jax: 0.10.2.dev20260603
libtpu: 0.0.44.dev20260713+nightly
codegen_flags: <defaults>
</compile_context>

<pallas_src>
import functools

import jax
import jax.numpy as jnp
from jax.experimental import pallas as pl
from jax.experimental.pallas import tpu as pltpu

K = 50
NUM_BINS = 5
CUTOFF = 10.0
BR = 128
R = 8


def _knn_kernel(m, npad, pa_ref, prt_ref, idx_ref, attr_ref):
    nc = npad // 128
    b = pl.program_id(0)
    pa = pa_ref[...]
    prt = prt_ref[...]
    sq_all = jnp.sum(pa * pa, axis=1, keepdims=True)
    sq_r = jnp.sum(prt * prt, axis=0, keepdims=True)
    g = jax.lax.dot_general(pa, prt, (((1,), (0,)), ((), ())),
                            preferred_element_type=jnp.float32)
    d2 = sq_all + sq_r - 2.0 * g
    if npad > m:
        d2 = jnp.concatenate(
            [d2[:m], jnp.full((npad - m, 128), 1e30, jnp.float32)], axis=0)
    d2_3 = d2.reshape(nc, 128, 128)
    cf3 = (jax.lax.broadcasted_iota(jnp.int32, (nc, 128, 128), 0) * 128
           + jax.lax.broadcasted_iota(jnp.int32, (nc, 128, 128), 1)
           ).astype(jnp.float32)
    rowf = (jnp.float32(b * 128)
            + jax.lax.broadcasted_iota(jnp.int32, (1, 1, 128), 2
                                       ).astype(jnp.float32))
    d2_3 = jnp.where(cf3 == rowf, d2_3 + 1e10, d2_3)
    npf = jnp.float32(npad)

    inf = jnp.float32(1e30)
    vals = d2_3
    pools_v = []
    pools_c = []
    for _ in range(R):
        cm = jnp.min(vals, axis=1)
        carg = jnp.min(jnp.where(vals == cm[:, None, :], cf3, npf),
                       axis=1)
        pools_v.append(cm)
        pools_c.append(carg)
        vals = jnp.where(cf3 == carg[:, None, :], inf, vals)
    poolv = jnp.concatenate(pools_v, axis=0)
    poolc = jnp.concatenate(pools_c, axis=0)
    m_star = jnp.min(jnp.min(vals, axis=1), axis=0, keepdims=True)

    top_i = []
    top_d = []
    pv = poolv
    for _ in range(K):
        mn = jnp.min(pv, axis=0, keepdims=True)
        arg = jnp.min(jnp.where(pv == mn, poolc, npf), axis=0,
                      keepdims=True)
        top_i.append(arg)
        top_d.append(mn)
        pv = jnp.where(poolc == arg, inf, pv)
    topi = jnp.concatenate(top_i, axis=0)
    topd = jnp.concatenate(top_d, axis=0)
    valid = jnp.all(topd[K - 1:K, :] < m_star)

    ki = jax.lax.broadcasted_iota(jnp.int32, (K, 128), 0)

    def pool_path():
        return topi, topd

    def exact_path():
        def body(k, carry):
            v, ti, td = carry
            mn = jnp.min(jnp.min(v, axis=1), axis=0, keepdims=True)
            arg = jnp.min(jnp.min(
                jnp.where(v == mn[None, :, :], cf3, npf), axis=1),
                axis=0, keepdims=True)
            ti = jnp.where(ki == k, arg, ti)
            td = jnp.where(ki == k, mn, td)
            v = jnp.where(cf3 == arg[None, :, :], inf, v)
            return v, ti, td
        zi = jnp.zeros((K, 128), jnp.float32)
        zd = jnp.zeros((K, 128), jnp.float32)
        _, ti, td = jax.lax.fori_loop(0, K, body, (d2_3, zi, zd))
        return ti, td

    topi, topd = jax.lax.cond(valid, pool_path, exact_path)

    idx_ref[...] = topi.astype(jnp.int32)
    dist = jnp.sqrt(jnp.maximum(topd, 0.0) + 1e-12)
    centers = jax.lax.broadcasted_iota(
        jnp.int32, (1, NUM_BINS, 1), 1).astype(jnp.float32) * 2.5
    two_s2 = jnp.float32(12.5)
    attr_ref[...] = jnp.exp(-((dist[:, None, :] - centers) ** 2) / two_s2)


def kernel(pos, keep_idx):
    p = pos[keep_idx]
    M = p.shape[0]
    npad = ((M + 127) // 128) * 128
    pa = jnp.pad(p, ((0, npad - M), (0, 0)))
    prt = pa.T
    grid = (npad // 128,)
    nbr_t, attr_t = pl.pallas_call(
        functools.partial(_knn_kernel, M, npad),
        grid=grid,
        in_specs=[
            pl.BlockSpec((npad, 3), lambda b: (0, 0)),
            pl.BlockSpec((3, BR), lambda b: (0, b)),
        ],
        out_specs=[
            pl.BlockSpec((K, BR), lambda b: (0, b)),
            pl.BlockSpec((K, NUM_BINS, BR), lambda b: (0, 0, b)),
        ],
        out_shape=[
            jax.ShapeDtypeStruct((K, npad), jnp.int32),
            jax.ShapeDtypeStruct((K, NUM_BINS, npad), jnp.float32),
        ],
        compiler_params=pltpu.CompilerParams(
            dimension_semantics=("parallel",)),
    )(pa, prt)

    nbr = nbr_t[:, :M].T
    src = nbr.reshape(-1)
    dst = jnp.repeat(jnp.arange(M, dtype=jnp.int32), K)
    edge_index = jnp.stack([jnp.concatenate([src, dst]),
                            jnp.concatenate([dst, src])])
    A = attr_t[:, :, :M].transpose(2, 0, 1).reshape(-1, NUM_BINS)
    edge_attr = jnp.concatenate([A, A], axis=0)
    return p, edge_index, edge_attr

# --- scband reference (transcript-rebuilt; emitter-appended) ---
"""Pipeline reference for scband-augmentation-module-85409719648781 (READ-ONLY COPY).

The authoritative reference and input builder live on the scoring server;
editing this copy changes nothing except your own understanding.
"""

import jax, jax.numpy as jnp
import numpy as np

K = 50
NUM_BINS = 5
CUTOFF = 10.0


def setup_inputs(seed: int = 0) -> dict:
    key = jax.random.key(seed)
    pos = jax.random.normal(jax.random.fold_in(key, 0), (10000, 3), dtype=jnp.float32)
    # RandomNodeDeletion(0.5): deterministic keep set of N/2 node indices
    keep_idx = jnp.arange(5000, dtype=jnp.int32)
    return {"pos": pos, "keep_idx": keep_idx}


def reference(pos, keep_idx):
    # --- RandomNodeDeletion(0.5): keep masked subset of nodes ---
    p = pos[keep_idx]                      # [M, 3]
    M = p.shape[0]
    # --- KNNGraph(k=50, force_undirected=True) ---
    sq = jnp.sum(p * p, axis=1)
    d2 = sq[:, None] + sq[None, :] - 2.0 * (p @ p.T)   # [M, M] pairwise squared distances
    d2 = d2 + jnp.eye(M, dtype=d2.dtype) * 1e10         # exclude self-loops
    _, nbr = jax.lax.top_k(-d2, K)                      # [M, K] nearest neighbor indices
    dst = jnp.repeat(jnp.arange(M), K)                  # target nodes
    src = nbr.reshape(-1)                               # source (neighbor) nodes
    # force_undirected: append reversed edges (duplicates kept for static shapes)
    row = jnp.concatenate([src, dst])
    col = jnp.concatenate([dst, src])
    edge_index = jnp.stack([row, col])                  # [2, 2*M*K]
    # --- Distance(norm=False): per-edge euclidean distance ---
    diff = p[col] - p[row]
    dist = jnp.sqrt(jnp.sum(diff * diff, axis=1) + 1e-12)  # [E]
    # --- DistanceRDF(num_bins=5): gaussian radial-basis expansion of distance ---
    centers = jnp.linspace(0.0, CUTOFF, NUM_BINS)
    sigma = centers[1] - centers[0]
    edge_attr = jnp.exp(-((dist[:, None] - centers[None, :]) ** 2) / (2.0 * sigma * sigma))  # [E, 5]
    return p, edge_index, edge_attr

if __name__ == "__main__":
    import jax
    _d = setup_inputs()
    print(jax.jit(kernel)(*tuple(_d.values())))

</pallas_src>

<mosaic_0001>
module attributes {stable_mosaic.version = 14 : i64} {
  func.func @_knn_kernel(%arg0: i32, %arg1: memref<5120x3xf32, #tpu.memory_space<vmem>>, %arg2: memref<3x128xf32, #tpu.memory_space<vmem>>, %arg3: memref<50x128xi32, #tpu.memory_space<vmem>>, %arg4: memref<50x5x128xf32, #tpu.memory_space<vmem>>) attributes {dimension_semantics = [#tpu.dimension_semantics<parallel>], iteration_bounds = array<i64: 40>, scalar_prefetch = 0 : i64, scratch_operands = 0 : i64, tpu.core_type = #tpu.core_type<tc>, window_params = [{pipeline_mode = #tpu.pipeline_mode<synchronous>, transform_indices = @transform_0, window_bounds = array<i64: 5120, 3>}, {transform_indices = @transform_1, window_bounds = array<i64: 3, 128>}, {transform_indices = @transform_2, window_bounds = array<i64: 50, 128>}, {transform_indices = @transform_3, window_bounds = array<i64: 50, 5, 128>}]} {
    %get3A = arith.constant 0 : index
    %get3A_0 = arith.constant 0 : index
    %get3A_1 = vector.load %arg1[%get3A, %get3A_0] : memref<5120x3xf32, #tpu.memory_space<vmem>>, vector<5120x3xf32>
    %get3A_2 = arith.constant 0 : index
    %get3A_3 = arith.constant 0 : index
    %get3A_4 = vector.load %arg2[%get3A_2, %get3A_3] : memref<3x128xf32, #tpu.memory_space<vmem>>, vector<3x128xf32>
    %mul3A = arith.mulf %get3A_1, %get3A_1 : vector<5120x3xf32>
    %reduce_sum3A = arith.constant dense<0.000000e+00> : vector<5120xf32>
    %reduce_sum3A_5 = vector.multi_reduction <add>, %mul3A, %reduce_sum3A [1] : vector<5120x3xf32> to vector<5120xf32>
    %broadcast_in_dim3A = vector.shape_cast %reduce_sum3A_5 : vector<5120xf32> to vector<5120x1xf32>
    %mul3A_6 = arith.mulf %get3A_4, %get3A_4 : vector<3x128xf32>
    %reduce_sum3A_7 = arith.constant dense<0.000000e+00> : vector<128xf32>
    %reduce_sum3A_8 = vector.multi_reduction <add>, %mul3A_6, %reduce_sum3A_7 [0] : vector<3x128xf32> to vector<128xf32>
    %broadcast_in_dim3A_9 = vector.shape_cast %reduce_sum3A_8 : vector<128xf32> to vector<1x128xf32>
    %dot_general3A = arith.constant dense<0.000000e+00> : vector<5120x128xf32>
    %dot_general3A_10 = tpu.matmul %get3A_1, %get3A_4, %dot_general3A {dimension_numbers = #tpu.dot_dimension_numbers<[1], [0], [0], [1], [0, 0, 1, 1], [], []>, transpose_lhs_hint = false} : vector<5120x3xf32>, vector<3x128xf32>, vector<5120x128xf32> -> vector<5120x128xf32>
    %add3A = vector.broadcast %broadcast_in_dim3A : vector<5120x1xf32> to vector<5120x128xf32>
    %add3A_11 = vector.broadcast %broadcast_in_dim3A_9 : vector<1x128xf32> to vector<5120x128xf32>
    %add3A_12 = arith.addf %add3A, %add3A_11 : vector<5120x128xf32>
    %mul3A_13 = arith.constant 2.000000e+00 : f32
    %mul3A_14 = vector.broadcast %mul3A_13 : f32 to vector<5120x128xf32>
    %mul3A_15 = arith.mulf %mul3A_14, %dot_general3A_10 : vector<5120x128xf32>
    %sub3A = arith.subf %add3A_12, %mul3A_15 : vector<5120x128xf32>
    %slice3A = vector.extract_strided_slice %sub3A {offsets = [0, 0], sizes = [5000, 128], strides = [1, 1]} : vector<5120x128xf32> to vector<5000x128xf32>
    %broadcast_in_dim3A_16 = arith.constant 1.000000e+30 : f32
    %broadcast_in_dim3A_17 = vector.broadcast %broadcast_in_dim3A_16 : f32 to vector<120x128xf32>
    %concatenate3A = tpu.concatenate %slice3A, %broadcast_in_dim3A_17 in 0 : vector<5000x128xf32>, vector<120x128xf32> -> vector<5120x128xf32>
    %reshape3A = vector.shape_cast %concatenate3A : vector<5120x128xf32> to vector<40x128x128xf32>
    %iota3A = tpu.iota {dimensions = array<i32: 0>} : vector<40x128x128xi32>
    %mul3A_18 = arith.constant 128 : i32
    %mul3A_19 = vector.broadcast %mul3A_18 : i32 to vector<40x128x128xi32>
    %mul3A_20 = arith.muli %iota3A, %mul3A_19 : vector<40x128x128xi32>
    %iota3A_21 = tpu.iota {dimensions = array<i32: 1>} : vector<40x128x128xi32>
    %add3A_22 = arith.addi %mul3A_20, %iota3A_21 : vector<40x128x128xi32>
    %convert_element_type3A = arith.sitofp %add3A_22 : vector<40x128x128xi32> to vector<40x128x128xf32>
    %mul3A_23 = arith.constant 128 : i32
    %mul3A_24 = arith.muli %arg0, %mul3A_23 : i32
    %convert_element_type3A_25 = arith.sitofp %mul3A_24 : i32 to f32
    %iota3A_26 = tpu.iota {dimensions = array<i32: 2>} : vector<1x1x128xi32>
    %convert_element_type3A_27 = arith.sitofp %iota3A_26 : vector<1x1x128xi32> to vector<1x1x128xf32>
    %add3A_28 = vector.broadcast %convert_element_type3A_25 : f32 to vector<1x1x128xf32>
    %add3A_29 = arith.addf %add3A_28, %convert_element_type3A_27 : vector<1x1x128xf32>
    %eq3A = vector.broadcast %add3A_29 : vector<1x1x128xf32> to vector<40x128x128xf32>
    %eq3A_30 = arith.cmpf oeq, %convert_element_type3A, %eq3A : vector<40x128x128xf32>
    %add3A_31 = arith.constant 1.000000e+10 : f32
    %add3A_32 = vector.broadcast %add3A_31 : f32 to vector<40x128x128xf32>
    %add3A_33 = arith.addf %reshape3A, %add3A_32 : vector<40x128x128xf32>
    %select_n3A = arith.select %eq3A_30, %add3A_33, %reshape3A : vector<40x128x128xi1>, vector<40x128x128xf32>
    %reduce_min3A = arith.constant dense<0x7F800000> : vector<40x128xf32>
    %reduce_min3A_34 = vector.multi_reduction <minimumf>, %select_n3A, %reduce_min3A [1] : vector<40x128x128xf32> to vector<40x128xf32>
    %broadcast_in_dim3A_35 = vector.shape_cast %reduce_min3A_34 : vector<40x128xf32> to vector<40x1x128xf32>
    %eq3A_36 = vector.broadcast %broadcast_in_dim3A_35 : vector<40x1x128xf32> to vector<40x128x128xf32>
    %eq3A_37 = arith.cmpf oeq, %select_n3A, %eq3A_36 : vector<40x128x128xf32>
    %jit3A = arith.constant 5.120000e+03 : f32
    %broadcast_in_dim3A_38 = vector.broadcast %jit3A : f32 to vector<40x128x128xf32>
    %select_n3A_39 = arith.select %eq3A_37, %convert_element_type3A, %broadcast_in_dim3A_38 : vector<40x128x128xi1>, vector<40x128x128xf32>
    %reduce_min3A_40 = arith.constant dense<0x7F800000> : vector<40x128xf32>
    %reduce_min3A_41 = vector.multi_reduction <minimumf>, %select_n3A_39, %reduce_min3A_40 [1] : vector<40x128x128xf32> to vector<40x128xf32>
    %broadcast_in_dim3A_42 = vector.shape_cast %reduce_min3A_41 : vector<40x128xf32> to vector<40x1x128xf32>
    %eq3A_43 = vector.broadcast %broadcast_in_dim3A_42 : vector<40x1x128xf32> to vector<40x128x128xf32>
    %eq3A_44 = arith.cmpf oeq, %convert_element_type3A, %eq3A_43 : vector<40x128x128xf32>
    %jit3A_45 = arith.constant 1.000000e+30 : f32
    %broadcast_in_dim3A_46 = vector.broadcast %jit3A_45 : f32 to vector<40x128x128xf32>
    %select_n3A_47 = arith.select %eq3A_44, %broadcast_in_dim3A_46, %select_n3A : vector<40x128x128xi1>, vector<40x128x128xf32>
    %reduce_min3A_48 = arith.constant dense<0x7F800000> : vector<40x128xf32>
    %reduce_min3A_49 = vector.multi_reduction <minimumf>, %select_n3A_47, %reduce_min3A_48 [1] : vector<40x128x128xf32> to vector<40x128xf32>
    %broadcast_in_dim3A_50 = vector.shape_cast %reduce_min3A_49 : vector<40x128xf32> to vector<40x1x128xf32>
    %eq3A_51 = vector.broadcast %broadcast_in_dim3A_50 : vector<40x1x128xf32> to vector<40x128x128xf32>
    %eq3A_52 = arith.cmpf oeq, %select_n3A_47, %eq3A_51 : vector<40x128x128xf32>
    %jit3A_53 = arith.constant 5.120000e+03 : f32
    %broadcast_in_dim3A_54 = vector.broadcast %jit3A_53 : f32 to vector<40x128x128xf32>
    %select_n3A_55 = arith.select %eq3A_52, %convert_element_type3A, %broadcast_in_dim3A_54 : vector<40x128x128xi1>, vector<40x128x128xf32>
    %reduce_min3A_56 = arith.constant dense<0x7F800000> : vector<40x128xf32>
    %reduce_min3A_57 = vector.multi_reduction <minimumf>, %select_n3A_55, %reduce_min3A_56 [1] : vector<40x128x128xf32> to vector<40x128xf32>
    %broadcast_in_dim3A_58 = vector.shape_cast %reduce_min3A_57 : vector<40x128xf32> to vector<40x1x128xf32>
    %eq3A_59 = vector.broadcast %broadcast_in_dim3A_58 : vector<40x1x128xf32> to vector<40x128x128xf32>
    %eq3A_60 = arith.cmpf oeq, %convert_element_type3A, %eq3A_59 : vector<40x128x128xf32>
    %jit3A_61 = arith.constant 1.000000e+30 : f32
    %broadcast_in_dim3A_62 = vector.broadcast %jit3A_61 : f32 to vector<40x128x128xf32>
    %select_n3A_63 = arith.select %eq3A_60, %broadcast_in_dim3A_62, %select_n3A_47 : vector<40x128x128xi1>, vector<40x128x128xf32>
    %reduce_min3A_64 = arith.constant dense<0x7F800000> : vector<40x128xf32>
    %reduce_min3A_65 = vector.multi_reduction <minimumf>, %select_n3A_63, %reduce_min3A_64 [1] : vector<40x128x128xf32> to vector<40x128xf32>
    %broadcast_in_dim3A_66 = vector.shape_cast %reduce_min3A_65 : vector<40x128xf32> to vector<40x1x128xf32>
    %eq3A_67 = vector.broadcast %broadcast_in_dim3A_66 : vector<40x1x128xf32> to vector<40x128x128xf32>
    %eq3A_68 = arith.cmpf oeq, %select_n3A_63, %eq3A_67 : vector<40x128x128xf32>
    %jit3A_69 = arith.constant 5.120000e+03 : f32
    %broadcast_in_dim3A_70 = vector.broadcast %jit3A_69 : f32 to vector<40x128x128xf32>
    %select_n3A_71 = arith.select %eq3A_68, %convert_element_type3A, %broadcast_in_dim3A_70 : vector<40x128x128xi1>, vector<40x128x128xf32>
    %reduce_min3A_72 = arith.constant dense<0x7F800000> : vector<40x128xf32>
    %reduce_min3A_73 = vector.multi_reduction <minimumf>, %select_n3A_71, %reduce_min3A_72 [1] : vector<40x128x128xf32> to vector<40x128xf32>
    %broadcast_in_dim3A_74 = vector.shape_cast %reduce_min3A_73 : vector<40x128xf32> to vector<40x1x128xf32>
    %eq3A_75 = vector.broadcast %broadcast_in_dim3A_74 : vector<40x1x128xf32> to vector<40x128x128xf32>
    %eq3A_76 = arith.cmpf oeq, %convert_element_type3A, %eq3A_75 : vector<40x128x128xf32>
    %jit3A_77 = arith.constant 1.000000e+30 : f32
    %broadcast_in_dim3A_78 = vector.broadcast %jit3A_77 : f32 to vector<40x128x128xf32>
    %select_n3A_79 = arith.select %eq3A_76, %broadcast_in_dim3A_78, %select_n3A_63 : vector<40x128x128xi1>, vector<40x128x128xf32>
    %reduce_min3A_80 = arith.constant dense<0x7F800000> : vector<40x128xf32>
    %reduce_min3A_81 = vector.multi_reduction <minimumf>, %select_n3A_79, %reduce_min3A_80 [1] : vector<40x128x128xf32> to vector<40x128xf32>
    %broadcast_in_dim3A_82 = vector.shape_cast %reduce_min3A_81 : vector<40x128xf32> to vector<40x1x128xf32>
    %eq3A_83 = vector.broadcast %broadcast_in_dim3A_82 : vector<40x1x128xf32> to vector<40x128x128xf32>
    %eq3A_84 = arith.cmpf oeq, %select_n3A_79, %eq3A_83 : vector<40x128x128xf32>
    %jit3A_85 = arith.constant 5.120000e+03 : f32
    %broadcast_in_dim3A_86 = vector.broadcast %jit3A_85 : f32 to vector<40x128x128xf32>
    %select_n3A_87 = arith.select %eq3A_84, %convert_element_type3A, %broadcast_in_dim3A_86 : vector<40x128x128xi1>, vector<40x128x128xf32>
    %reduce_min3A_88 = arith.constant dense<0x7F800000> : vector<40x128xf32>
    %reduce_min3A_89 = vector.multi_reduction <minimumf>, %select_n3A_87, %reduce_min3A_88 [1] : vector<40x128x128xf32> to vector<40x128xf32>
    %broadcast_in_dim3A_90 = vector.shape_cast %reduce_min3A_89 : vector<40x128xf32> to vector<40x1x128xf32>
    %eq3A_91 = vector.broadcast %broadcast_in_dim3A_90 : vector<40x1x128xf32> to vector<40x128x128xf32>
    %eq3A_92 = arith.cmpf oeq, %convert_element_type3A, %eq3A_91 : vector<40x128x128xf32>
    %jit3A_93 = arith.constant 1.000000e+30 : f32
    %broadcast_in_dim3A_94 = vector.broadcast %jit3A_93 : f32 to vector<40x128x128xf32>
    %select_n3A_95 = arith.select %eq3A_92, %broadcast_in_dim3A_94, %select_n3A_79 : vector<40x128x128xi1>, vector<40x128x128xf32>
    %reduce_min3A_96 = arith.constant dense<0x7F800000> : vector<40x128xf32>
    %reduce_min3A_97 = vector.multi_reduction <minimumf>, %select_n3A_95, %reduce_min3A_96 [1] : vector<40x128x128xf32> to vector<40x128xf32>
    %broadcast_in_dim3A_98 = vector.shape_cast %reduce_min3A_97 : vector<40x128xf32> to vector<40x1x128xf32>
    %eq3A_99 = vector.broadcast %broadcast_in_dim3A_98 : vector<40x1x128xf32> to vector<40x128x128xf32>
    %eq3A_100 = arith.cmpf oeq, %select_n3A_95, %eq3A_99 : vector<40x128x128xf32>
    %jit3A_101 = arith.constant 5.120000e+03 : f32
    %broadcast_in_dim3A_102 = vector.broadcast %jit3A_101 : f32 to vector<40x128x128xf32>
    %select_n3A_103 = arith.select %eq3A_100, %convert_element_type3A, %broadcast_in_dim3A_102 : vector<40x128x128xi1>, vector<40x128x128xf32>
    %reduce_min3A_104 = arith.constant dense<0x7F800000> : vector<40x128xf32>
    %reduce_min3A_105 = vector.multi_reduction <minimumf>, %select_n3A_103, %reduce_min3A_104 [1] : vector<40x128x128xf32> to vector<40x128xf32>
    %broadcast_in_dim3A_106 = vector.shape_cast %reduce_min3A_105 : vector<40x128xf32> to vector<40x1x128xf32>
    %eq3A_107 = vector.broadcast %broadcast_in_dim3A_106 : vector<40x1x128xf32> to vector<40x128x128xf32>
    %eq3A_108 = arith.cmpf oeq, %convert_element_type3A, %eq3A_107 : vector<40x128x128xf32>
    %jit3A_109 = arith.constant 1.000000e+30 : f32
    %broadcast_in_dim3A_110 = vector.broadcast %jit3A_109 : f32 to vector<40x128x128xf32>
    %select_n3A_111 = arith.select %eq3A_108, %broadcast_in_dim3A_110, %select_n3A_95 : vector<40x128x128xi1>, vector<40x128x128xf32>
    %reduce_min3A_112 = arith.constant dense<0x7F800000> : vector<40x128xf32>
    %reduce_min3A_113 = vector.multi_reduction <minimumf>, %select_n3A_111, %reduce_min3A_112 [1] : vector<40x128x128xf32> to vector<40x128xf32>
    %broadcast_in_dim3A_114 = vector.shape_cast %reduce_min3A_113 : vector<40x128xf32> to vector<40x1x128xf32>
    %eq3A_115 = vector.broadcast %broadcast_in_dim3A_114 : vector<40x1x128xf32> to vector<40x128x128xf32>
    %eq3A_116 = arith.cmpf oeq, %select_n3A_111, %eq3A_115 : vector<40x128x128xf32>
    %jit3A_117 = arith.constant 5.120000e+03 : f32
    %broadcast_in_dim3A_118 = vector.broadcast %jit3A_117 : f32 to vector<40x128x128xf32>
    %select_n3A_119 = arith.select %eq3A_116, %convert_element_type3A, %broadcast_in_dim3A_118 : vector<40x128x128xi1>, vector<40x128x128xf32>
    %reduce_min3A_120 = arith.constant dense<0x7F800000> : vector<40x128xf32>
    %reduce_min3A_121 = vector.multi_reduction <minimumf>, %select_n3A_119, %reduce_min3A_120 [1] : vector<40x128x128xf32> to vector<40x128xf32>
    %broadcast_in_dim3A_122 = vector.shape_cast %reduce_min3A_121 : vector<40x128xf32> to vector<40x1x128xf32>
    %eq3A_123 = vector.broadcast %broadcast_in_dim3A_122 : vector<40x1x128xf32> to vector<40x128x128xf32>
    %eq3A_124 = arith.cmpf oeq, %convert_element_type3A, %eq3A_123 : vector<40x128x128xf32>
    %jit3A_125 = arith.constant 1.000000e+30 : f32
    %broadcast_in_dim3A_126 = vector.broadcast %jit3A_125 : f32 to vector<40x128x128xf32>
    %select_n3A_127 = arith.select %eq3A_124, %broadcast_in_dim3A_126, %select_n3A_111 : vector<40x128x128xi1>, vector<40x128x128xf32>
    %reduce_min3A_128 = arith.constant dense<0x7F800000> : vector<40x128xf32>
    %reduce_min3A_129 = vector.multi_reduction <minimumf>, %select_n3A_127, %reduce_min3A_128 [1] : vector<40x128x128xf32> to vector<40x128xf32>
    %broadcast_in_dim3A_130 = vector.shape_cast %reduce_min3A_129 : vector<40x128xf32> to vector<40x1x128xf32>
    %eq3A_131 = vector.broadcast %broadcast_in_dim3A_130 : vector<40x1x128xf32> to vector<40x128x128xf32>
    %eq3A_132 = arith.cmpf oeq, %select_n3A_127, %eq3A_131 : vector<40x128x128xf32>
    %jit3A_133 = arith.constant 5.120000e+03 : f32
    %broadcast_in_dim3A_134 = vector.broadcast %jit3A_133 : f32 to vector<40x128x128xf32>
    %select_n3A_135 = arith.select %eq3A_132, %convert_element_type3A, %broadcast_in_dim3A_134 : vector<40x128x128xi1>, vector<40x128x128xf32>
    %reduce_min3A_136 = arith.constant dense<0x7F800000> : vector<40x128xf32>
    %reduce_min3A_137 = vector.multi_reduction <minimumf>, %select_n3A_135, %reduce_min3A_136 [1] : vector<40x128x128xf32> to vector<40x128xf32>
    %broadcast_in_dim3A_138 = vector.shape_cast %reduce_min3A_137 : vector<40x128xf32> to vector<40x1x128xf32>
    %eq3A_139 = vector.broadcast %broadcast_in_dim3A_138 : vector<40x1x128xf32> to vector<40x128x128xf32>
    %eq3A_140 = arith.cmpf oeq, %convert_element_type3A, %eq3A_139 : vector<40x128x128xf32>
    %jit3A_141 = arith.constant 1.000000e+30 : f32
    %broadcast_in_dim3A_142 = vector.broadcast %jit3A_141 : f32 to vector<40x128x128xf32>
    %select_n3A_143 = arith.select %eq3A_140, %broadcast_in_dim3A_142, %select_n3A_127 : vector<40x128x128xi1>, vector<40x128x128xf32>
    %reduce_min3A_144 = arith.constant dense<0x7F800000> : vector<40x128xf32>
    %reduce_min3A_145 = vector.multi_reduction <minimumf>, %select_n3A_143, %reduce_min3A_144 [1] : vector<40x128x128xf32> to vector<40x128xf32>
    %broadcast_in_dim3A_146 = vector.shape_cast %reduce_min3A_145 : vector<40x128xf32> to vector<40x1x128xf32>
    %eq3A_147 = vector.broadcast %broadcast_in_dim3A_146 : vector<40x1x128xf32> to vector<40x128x128xf32>
    %eq3A_148 = arith.cmpf oeq, %select_n3A_143, %eq3A_147 : vector<40x128x128xf32>
    %jit3A_149 = arith.constant 5.120000e+03 : f32
    %broadcast_in_dim3A_150 = vector.broadcast %jit3A_149 : f32 to vector<40x128x128xf32>
    %select_n3A_151 = arith.select %eq3A_148, %convert_element_type3A, %broadcast_in_dim3A_150 : vector<40x128x128xi1>, vector<40x128x128xf32>
    %reduce_min3A_152 = arith.constant dense<0x7F800000> : vector<40x128xf32>
    %reduce_min3A_153 = vector.multi_reduction <minimumf>, %select_n3A_151, %reduce_min3A_152 [1] : vector<40x128x128xf32> to vector<40x128xf32>
    %broadcast_in_dim3A_154 = vector.shape_cast %reduce_min3A_153 : vector<40x128xf32> to vector<40x1x128xf32>
    %eq3A_155 = vector.broadcast %broadcast_in_dim3A_154 : vector<40x1x128xf32> to vector<40x128x128xf32>
    %eq3A_156 = arith.cmpf oeq, %convert_element_type3A, %eq3A_155 : vector<40x128x128xf32>
    %jit3A_157 = arith.constant 1.000000e+30 : f32
    %broadcast_in_dim3A_158 = vector.broadcast %jit3A_157 : f32 to vector<40x128x128xf32>
    %select_n3A_159 = arith.select %eq3A_156, %broadcast_in_dim3A_158, %select_n3A_143 : vector<40x128x128xi1>, vector<40x128x128xf32>
    %concatenate3A_160 = tpu.concatenate %reduce_min3A_34, %reduce_min3A_49, %reduce_min3A_65, %reduce_min3A_81, %reduce_min3A_97, %reduce_min3A_113, %reduce_min3A_129, %reduce_min3A_145 in 0 : vector<40x128xf32>, vector<40x128xf32>, vector<40x128xf32>, vector<40x128xf32>, vector<40x128xf32>, vector<40x128xf32>, vector<40x128xf32>, vector<40x128xf32> -> vector<320x128xf32>
    %concatenate3A_161 = tpu.concatenate %reduce_min3A_41, %reduce_min3A_57, %reduce_min3A_73, %reduce_min3A_89, %reduce_min3A_105, %reduce_min3A_121, %reduce_min3A_137, %reduce_min3A_153 in 0 : vector<40x128xf32>, vector<40x128xf32>, vector<40x128xf32>, vector<40x128xf32>, vector<40x128xf32>, vector<40x128xf32>, vector<40x128xf32>, vector<40x128xf32> -> vector<320x128xf32>
    %reduce_min3A_162 = arith.constant dense<0x7F800000> : vector<40x128xf32>
    %reduce_min3A_163 = vector.multi_reduction <minimumf>, %select_n3A_159, %reduce_min3A_162 [1] : vector<40x128x128xf32> to vector<40x128xf32>
    %reduce_min3A_164 = arith.constant dense<0x7F800000> : vector<128xf32>
    %reduce_min3A_165 = vector.multi_reduction <minimumf>, %reduce_min3A_163, %reduce_min3A_164 [0] : vector<40x128xf32> to vector<128xf32>
    %broadcast_in_dim3A_166 = vector.shape_cast %reduce_min3A_165 : vector<128xf32> to vector<1x128xf32>
    %reduce_min3A_167 = arith.constant dense<0x7F800000> : vector<128xf32>
    %reduce_min3A_168 = vector.multi_reduction <minimumf>, %concatenate3A_160, %reduce_min3A_167 [0] : vector<320x128xf32> to vector<128xf32>
    %broadcast_in_dim3A_169 = vector.shape_cast %reduce_min3A_168 : vector<128xf32> to vector<1x128xf32>
    %eq3A_170 = vector.broadcast %broadcast_in_dim3A_169 : vector<1x128xf32> to vector<320x128xf32>
    %eq3A_171 = arith.cmpf oeq, %concatenate3A_160, %eq3A_170 : vector<320x128xf32>
    %jit3A_172 = arith.constant 5.120000e+03 : f32
    %broadcast_in_dim3A_173 = vector.broadcast %jit3A_172 : f32 to vector<320x128xf32>
    %select_n3A_174 = arith.select %eq3A_171, %concatenate3A_161, %broadcast_in_dim3A_173 : vector<320x128xi1>, vector<320x128xf32>
    %reduce_min3A_175 = arith.constant dense<0x7F800000> : vector<128xf32>
    %reduce_min3A_176 = vector.multi_reduction <minimumf>, %select_n3A_174, %reduce_min3A_175 [0] : vector<320x128xf32> to vector<128xf32>
    %broadcast_in_dim3A_177 = vector.shape_cast %reduce_min3A_176 : vector<128xf32> to vector<1x128xf32>
    %eq3A_178 = vector.broadcast %broadcast_in_dim3A_177 : vector<1x128xf32> to vector<320x128xf32>
    %eq3A_179 = arith.cmpf oeq, %concatenate3A_161, %eq3A_178 : vector<320x128xf32>
    %jit3A_180 = arith.constant 1.000000e+30 : f32
    %broadcast_in_dim3A_181 = vector.broadcast %jit3A_180 : f32 to vector<320x128xf32>
    %select_n3A_182 = arith.select %eq3A_179, %broadcast_in_dim3A_181, %concatenate3A_160 : vector<320x128xi1>, vector<320x128xf32>
    %reduce_min3A_183 = arith.constant dense<0x7F800000> : vector<128xf32>
    %reduce_min3A_184 = vector.multi_reduction <minimumf>, %select_n3A_182, %reduce_min3A_183 [0] : vector<320x128xf32> to vector<128xf32>
    %broadcast_in_dim3A_185 = vector.shape_cast %reduce_min3A_184 : vector<128xf32> to vector<1x128xf32>
    %eq3A_186 = vector.broadcast %broadcast_in_dim3A_185 : vector<1x128xf32> to vector<320x128xf32>
    %eq3A_187 = arith.cmpf oeq, %select_n3A_182, %eq3A_186 : vector<320x128xf32>
    %jit3A_188 = arith.constant 5.120000e+03 : f32
    %broadcast_in_dim3A_189 = vector.broadcast %jit3A_188 : f32 to vector<320x128xf32>
    %select_n3A_190 = arith.select %eq3A_187, %concatenate3A_161, %broadcast_in_dim3A_189 : vector<320x128xi1>, vector<320x128xf32>
    %reduce_min3A_191 = arith.constant dense<0x7F800000> : vector<128xf32>
    %reduce_min3A_192 = vector.multi_reduction <minimumf>, %select_n3A_190, %reduce_min3A_191 [0] : vector<320x128xf32> to vector<128xf32>
    %broadcast_in_dim3A_193 = vector.shape_cast %reduce_min3A_192 : vector<128xf32> to vector<1x128xf32>
    %eq3A_194 = vector.broadcast %broadcast_in_dim3A_193 : vector<1x128xf32> to vector<320x128xf32>
    %eq3A_195 = arith.cmpf oeq, %concatenate3A_161, %eq3A_194 : vector<320x128xf32>
    %jit3A_196 = arith.constant 1.000000e+30 : f32
    %broadcast_in_dim3A_197 = vector.broadcast %jit3A_196 : f32 to vector<320x128xf32>
    %select_n3A_198 = arith.select %eq3A_195, %broadcast_in_dim3A_197, %select_n3A_182 : vector<320x128xi1>, vector<320x128xf32>
    %reduce_min3A_199 = arith.constant dense<0x7F800000> : vector<128xf32>
    %reduce_min3A_200 = vector.multi_reduction <minimumf>, %select_n3A_198, %reduce_min3A_199 [0] : vector<320x128xf32> to vector<128xf32>
    %broadcast_in_dim3A_201 = vector.shape_cast %reduce_min3A_200 : vector<128xf32> to vector<1x128xf32>
    %eq3A_202 = vector.broadcast %broadcast_in_dim3A_201 : vector<1x128xf32> to vector<320x128xf32>
    %eq3A_203 = arith.cmpf oeq, %select_n3A_198, %eq3A_202 : vector<320x128xf32>
    %jit3A_204 = arith.constant 5.120000e+03 : f32
    %broadcast_in_dim3A_205 = vector.broadcast %jit3A_204 : f32 to vector<320x128xf32>
    %select_n3A_206 = arith.select %eq3A_203, %concatenate3A_161, %broadcast_in_dim3A_205 : vector<320x128xi1>, vector<320x128xf32>
    %reduce_min3A_207 = arith.constant dense<0x7F800000> : vector<128xf32>
    %reduce_min3A_208 = vector.multi_reduction <minimumf>, %select_n3A_206, %reduce_min3A_207 [0] : vector<320x128xf32> to vector<128xf32>
    %broadcast_in_dim3A_209 = vector.shape_cast %reduce_min3A_208 : vector<128xf32> to vector<1x128xf32>
    %eq3A_210 = vector.broadcast %broadcast_in_dim3A_209 : vector<1x128xf32> to vector<320x128xf32>
    %eq3A_211 = arith.cmpf oeq, %concatenate3A_161, %eq3A_210 : vector<320x128xf32>
    %jit3A_212 = arith.constant 1.000000e+30 : f32
    %broadcast_in_dim3A_213 = vector.broadcast %jit3A_212 : f32 to vector<320x128xf32>
    %select_n3A_214 = arith.select %eq3A_211, %broadcast_in_dim3A_213, %select_n3A_198 : vector<320x128xi1>, vector<320x128xf32>
    %reduce_min3A_215 = arith.constant dense<0x7F800000> : vector<128xf32>
    %reduce_min3A_216 = vector.multi_reduction <minimumf>, %select_n3A_214, %reduce_min3A_215 [0] : vector<320x128xf32> to vector<128xf32>
    %broadcast_in_dim3A_217 = vector.shape_cast %reduce_min3A_216 : vector<128xf32> to vector<1x128xf32>
    %eq3A_218 = vector.broadcast %broadcast_in_dim3A_217 : vector<1x128xf32> to vector<320x128xf32>
    %eq3A_219 = arith.cmpf oeq, %select_n3A_214, %eq3A_218 : vector<320x128xf32>
    %jit3A_220 = arith.constant 5.120000e+03 : f32
    %broadcast_in_dim3A_221 = vector.broadcast %jit3A_220 : f32 to vector<320x128xf32>
    %select_n3A_222 = arith.select %eq3A_219, %concatenate3A_161, %broadcast_in_dim3A_221 : vector<320x128xi1>, vector<320x128xf32>
    %reduce_min3A_223 = arith.constant dense<0x7F800000> : vector<128xf32>
    %reduce_min3A_224 = vector.multi_reduction <minimumf>, %select_n3A_222, %reduce_min3A_223 [0] : vector<320x128xf32> to vector<128xf32>
    %broadcast_in_dim3A_225 = vector.shape_cast %reduce_min3A_224 : vector<128xf32> to vector<1x128xf32>
    %eq3A_226 = vector.broadcast %broadcast_in_dim3A_225 : vector<1x128xf32> to vector<320x128xf32>
    %eq3A_227 = arith.cmpf oeq, %concatenate3A_161, %eq3A_226 : vector<320x128xf32>
    %jit3A_228 = arith.constant 1.000000e+30 : f32
    %broadcast_in_dim3A_229 = vector.broadcast %jit3A_228 : f32 to vector<320x128xf32>
    %select_n3A_230 = arith.select %eq3A_227, %broadcast_in_dim3A_229, %select_n3A_214 : vector<320x128xi1>, vector<320x128xf32>
    %reduce_min3A_231 = arith.constant dense<0x7F800000> : vector<128xf32>
    %reduce_min3A_232 = vector.multi_reduction <minimumf>, %select_n3A_230, %reduce_min3A_231 [0] : vector<320x128xf32> to vector<128xf32>
    %broadcast_in_dim3A_233 = vector.shape_cast %reduce_min3A_232 : vector<128xf32> to vector<1x128xf32>
    %eq3A_234 = vector.broadcast %broadcast_in_dim3A_233 : vector<1x128xf32> to vector<320x128xf32>
    %eq3A_235 = arith.cmpf oeq, %select_n3A_230, %eq3A_234 : vector<320x128xf32>
    %jit3A_236 = arith.constant 5.120000e+03 : f32
    %broadcast_in_dim3A_237 = vector.broadcast %jit3A_236 : f32 to vector<320x128xf32>
    %select_n3A_238 = arith.select %eq3A_235, %concatenate3A_161, %broadcast_in_dim3A_237 : vector<320x128xi1>, vector<320x128xf32>
    %reduce_min3A_239 = arith.constant dense<0x7F800000> : vector<128xf32>
    %reduce_min3A_240 = vector.multi_reduction <minimumf>, %select_n3A_238, %reduce_min3A_239 [0] : vector<320x128xf32> to vector<128xf32>
    %broadcast_in_dim3A_241 = vector.shape_cast %reduce_min3A_240 : vector<128xf32> to vector<1x128xf32>
    %eq3A_242 = vector.broadcast %broadcast_in_dim3A_241 : vector<1x128xf32> to vector<320x128xf32>
    %eq3A_243 = arith.cmpf oeq, %concatenate3A_161, %eq3A_242 : vector<320x128xf32>
    %jit3A_244 = arith.constant 1.000000e+30 : f32
    %broadcast_in_dim3A_245 = vector.broadcast %jit3A_244 : f32 to vector<320x128xf32>
    %select_n3A_246 = arith.select %eq3A_243, %broadcast_in_dim3A_245, %select_n3A_230 : vector<320x128xi1>, vector<320x128xf32>
    %reduce_min3A_247 = arith.constant dense<0x7F800000> : vector<128xf32>
    %reduce_min3A_248 = vector.multi_reduction <minimumf>, %select_n3A_246, %reduce_min3A_247 [0] : vector<320x128xf32> to vector<128xf32>
    %broadcast_in_dim3A_249 = vector.shape_cast %reduce_min3A_248 : vector<128xf32> to vector<1x128xf32>
    %eq3A_250 = vector.broadcast %broadcast_in_dim3A_249 : vector<1x128xf32> to vector<320x128xf32>
    %eq3A_251 = arith.cmpf oeq, %select_n3A_246, %eq3A_250 : vector<320x128xf32>
    %jit3A_252 = arith.constant 5.120000e+03 : f32
    %broadcast_in_dim3A_253 = vector.broadcast %jit3A_252 : f32 to vector<320x128xf32>
    %select_n3A_254 = arith.select %eq3A_251, %concatenate3A_161, %broadcast_in_dim3A_253 : vector<320x128xi1>, vector<320x128xf32>
    %reduce_min3A_255 = arith.constant dense<0x7F800000> : vector<128xf32>
    %reduce_min3A_256 = vector.multi_reduction <minimumf>, %select_n3A_254, %reduce_min3A_255 [0] : vector<320x128xf32> to vector<128xf32>
    %broadcast_in_dim3A_257 = vector.shape_cast %reduce_min3A_256 : vector<128xf32> to vector<1x128xf32>
    %eq3A_258 = vector.broadcast %broadcast_in_dim3A_257 : vector<1x128xf32> to vector<320x128xf32>
    %eq3A_259 = arith.cmpf oeq, %concatenate3A_161, %eq3A_258 : vector<320x128xf32>
    %jit3A_260 = arith.constant 1.000000e+30 : f32
    %broadcast_in_dim3A_261 = vector.broadcast %jit3A_260 : f32 to vector<320x128xf32>
    %select_n3A_262 = arith.select %eq3A_259, %broadcast_in_dim3A_261, %select_n3A_246 : vector<320x128xi1>, vector<320x128xf32>
    %reduce_min3A_263 = arith.constant dense<0x7F800000> : vector<128xf32>
    %reduce_min3A_264 = vector.multi_reduction <minimumf>, %select_n3A_262, %reduce_min3A_263 [0] : vector<320x128xf32> to vector<128xf32>
    %broadcast_in_dim3A_265 = vector.shape_cast %reduce_min3A_264 : vector<128xf32> to vector<1x128xf32>
    %eq3A_266 = vector.broadcast %broadcast_in_dim3A_265 : vector<1x128xf32> to vector<320x128xf32>
    %eq3A_267 = arith.cmpf oeq, %select_n3A_262, %eq3A_266 : vector<320x128xf32>
    %jit3A_268 = arith.constant 5.120000e+03 : f32
    %broadcast_in_dim3A_269 = vector.broadcast %jit3A_268 : f32 to vector<320x128xf32>
    %select_n3A_270 = arith.select %eq3A_267, %concatenate3A_161, %broadcast_in_dim3A_269 : vector<320x128xi1>, vector<320x128xf32>
    %reduce_min3A_271 = arith.constant dense<0x7F800000> : vector<128xf32>
    %reduce_min3A_272 = vector.multi_reduction <minimumf>, %select_n3A_270, %reduce_min3A_271 [0] : vector<320x128xf32> to vector<128xf32>
    %broadcast_in_dim3A_273 = vector.shape_cast %reduce_min3A_272 : vector<128xf32> to vector<1x128xf32>
    %eq3A_274 = vector.broadcast %broadcast_in_dim3A_273 : vector<1x128xf32> to vector<320x128xf32>
    %eq3A_275 = arith.cmpf oeq, %concatenate3A_161, %eq3A_274 : vector<320x128xf32>
    %jit3A_276 = arith.constant 1.000000e+30 : f32
    %broadcast_in_dim3A_277 = vector.broadcast %jit3A_276 : f32 to vector<320x128xf32>
    %select_n3A_278 = arith.select %eq3A_275, %broadcast_in_dim3A_277, %select_n3A_262 : vector<320x128xi1>, vector<320x128xf32>
    %reduce_min3A_279 = arith.constant dense<0x7F800000> : vector<128xf32>
    %reduce_min3A_280 = vector.multi_reduction <minimumf>, %select_n3A_278, %reduce_min3A_279 [0] : vector<320x128xf32> to vector<128xf32>
    %broadcast_in_dim3A_281 = vector.shape_cast %reduce_min3A_280 : vector<128xf32> to vector<1x128xf32>
    %eq3A_282 = vector.broadcast %broadcast_in_dim3A_281 : vector<1x128xf32> to vector<320x128xf32>
    %eq3A_283 = arith.cmpf oeq, %select_n3A_278, %eq3A_282 : vector<320x128xf32>
    %jit3A_284 = arith.constant 5.120000e+03 : f32
    %broadcast_in_dim3A_285 = vector.broadcast %jit3A_284 : f32 to vector<320x128xf32>
    %select_n3A_286 = arith.select %eq3A_283, %concatenate3A_161, %broadcast_in_dim3A_285 : vector<320x128xi1>, vector<320x128xf32>
    %reduce_min3A_287 = arith.constant dense<0x7F800000> : vector<128xf32>
    %reduce_min3A_288 = vector.multi_reduction <minimumf>, %select_n3A_286, %reduce_min3A_287 [0] : vector<320x128xf32> to vector<128xf32>
    %broadcast_in_dim3A_289 = vector.shape_cast %reduce_min3A_288 : vector<128xf32> to vector<1x128xf32>
    %eq3A_290 = vector.broadcast %broadcast_in_dim3A_289 : vector<1x128xf32> to vector<320x128xf32>
    %eq3A_291 = arith.cmpf oeq, %concatenate3A_161, %eq3A_290 : vector<320x128xf32>
    %jit3A_292 = arith.constant 1.000000e+30 : f32
    %broadcast_in_dim3A_293 = vector.broadcast %jit3A_292 : f32 to vector<320x128xf32>
    %select_n3A_294 = arith.select %eq3A_291, %broadcast_in_dim3A_293, %select_n3A_278 : vector<320x128xi1>, vector<320x128xf32>
    %reduce_min3A_295 = arith.constant dense<0x7F800000> : vector<128xf32>
    %reduce_min3A_296 = vector.multi_reduction <minimumf>, %select_n3A_294, %reduce_min3A_295 [0] : vector<320x128xf32> to vector<128xf32>
    %broadcast_in_dim3A_297 = vector.shape_cast %reduce_min3A_296 : vector<128xf32> to vector<1x128xf32>
    %eq3A_298 = vector.broadcast %broadcast_in_dim3A_297 : vector<1x128xf32> to vector<320x128xf32>
    %eq3A_299 = arith.cmpf oeq, %select_n3A_294, %eq3A_298 : vector<320x128xf32>
    %jit3A_300 = arith.constant 5.120000e+03 : f32
    %broadcast_in_dim3A_301 = vector.broadcast %jit3A_300 : f32 to vector<320x128xf32>
    %select_n3A_302 = arith.select %eq3A_299, %concatenate3A_161, %broadcast_in_dim3A_301 : vector<320x128xi1>, vector<320x128xf32>
    %reduce_min3A_303 = arith.constant dense<0x7F800000> : vector<128xf32>
    %reduce_min3A_304 = vector.multi_reduction <minimumf>, %select_n3A_302, %reduce_min3A_303 [0] : vector<320x128xf32> to vector<128xf32>
    %broadcast_in_dim3A_305 = vector.shape_cast %reduce_min3A_304 : vector<128xf32> to vector<1x128xf32>
    %eq3A_306 = vector.broadcast %broadcast_in_dim3A_305 : vector<1x128xf32> to vector<320x128xf32>
    %eq3A_307 = arith.cmpf oeq, %concatenate3A_161, %eq3A_306 : vector<320x128xf32>
    %jit3A_308 = arith.constant 1.000000e+30 : f32
    %broadcast_in_dim3A_309 = vector.broadcast %jit3A_308 : f32 to vector<320x128xf32>
    %select_n3A_310 = arith.select %eq3A_307, %broadcast_in_dim3A_309, %select_n3A_294 : vector<320x128xi1>, vector<320x128xf32>
    %reduce_min3A_311 = arith.constant dense<0x7F800000> : vector<128xf32>
    %reduce_min3A_312 = vector.multi_reduction <minimumf>, %select_n3A_310, %reduce_min3A_311 [0] : vector<320x128xf32> to vector<128xf32>
    %broadcast_in_dim3A_313 = vector.shape_cast %reduce_min3A_312 : vector<128xf32> to vector<1x128xf32>
    %eq3A_314 = vector.broadcast %broadcast_in_dim3A_313 : vector<1x128xf32> to vector<320x128xf32>
    %eq3A_315 = arith.cmpf oeq, %select_n3A_310, %eq3A_314 : vector<320x128xf32>
    %jit3A_316 = arith.constant 5.120000e+03 : f32
    %broadcast_in_dim3A_317 = vector.broadcast %jit3A_316 : f32 to vector<320x128xf32>
    %select_n3A_318 = arith.select %eq3A_315, %concatenate3A_161, %broadcast_in_dim3A_317 : vector<320x128xi1>, vector<320x128xf32>
    %reduce_min3A_319 = arith.constant dense<0x7F800000> : vector<128xf32>
    %reduce_min3A_320 = vector.multi_reduction <minimumf>, %select_n3A_318, %reduce_min3A_319 [0] : vector<320x128xf32> to vector<128xf32>
    %broadcast_in_dim3A_321 = vector.shape_cast %reduce_min3A_320 : vector<128xf32> to vector<1x128xf32>
    %eq3A_322 = vector.broadcast %broadcast_in_dim3A_321 : vector<1x128xf32> to vector<320x128xf32>
    %eq3A_323 = arith.cmpf oeq, %concatenate3A_161, %eq3A_322 : vector<320x128xf32>
    %jit3A_324 = arith.constant 1.000000e+30 : f32
    %broadcast_in_dim3A_325 = vector.broadcast %jit3A_324 : f32 to vector<320x128xf32>
    %select_n3A_326 = arith.select %eq3A_323, %broadcast_in_dim3A_325, %select_n3A_310 : vector<320x128xi1>, vector<320x128xf32>
    %reduce_min3A_327 = arith.constant dense<0x7F800000> : vector<128xf32>
    %reduce_min3A_328 = vector.multi_reduction <minimumf>, %select_n3A_326, %reduce_min3A_327 [0] : vector<320x128xf32> to vector<128xf32>
    %broadcast_in_dim3A_329 = vector.shape_cast %reduce_min3A_328 : vector<128xf32> to vector<1x128xf32>
    %eq3A_330 = vector.broadcast %broadcast_in_dim3A_329 : vector<1x128xf32> to vector<320x128xf32>
    %eq3A_331 = arith.cmpf oeq, %select_n3A_326, %eq3A_330 : vector<320x128xf32>
    %jit3A_332 = arith.constant 5.120000e+03 : f32
    %broadcast_in_dim3A_333 = vector.broadcast %jit3A_332 : f32 to vector<320x128xf32>
    %select_n3A_334 = arith.select %eq3A_331, %concatenate3A_161, %broadcast_in_dim3A_333 : vector<320x128xi1>, vector<320x128xf32>
    %reduce_min3A_335 = arith.constant dense<0x7F800000> : vector<128xf32>
    %reduce_min3A_336 = vector.multi_reduction <minimumf>, %select_n3A_334, %reduce_min3A_335 [0] : vector<320x128xf32> to vector<128xf32>
    %broadcast_in_dim3A_337 = vector.shape_cast %reduce_min3A_336 : vector<128xf32> to vector<1x128xf32>
    %eq3A_338 = vector.broadcast %broadcast_in_dim3A_337 : vector<1x128xf32> to vector<320x128xf32>
    %eq3A_339 = arith.cmpf oeq, %concatenate3A_161, %eq3A_338 : vector<320x128xf32>
    %jit3A_340 = arith.constant 1.000000e+30 : f32
    %broadcast_in_dim3A_341 = vector.broadcast %jit3A_340 : f32 to vector<320x128xf32>
    %select_n3A_342 = arith.select %eq3A_339, %broadcast_in_dim3A_341, %select_n3A_326 : vector<320x128xi1>, vector<320x128xf32>
    %reduce_min3A_343 = arith.constant dense<0x7F800000> : vector<128xf32>
    %reduce_min3A_344 = vector.multi_reduction <minimumf>, %select_n3A_342, %reduce_min3A_343 [0] : vector<320x128xf32> to vector<128xf32>
    %broadcast_in_dim3A_345 = vector.shape_cast %reduce_min3A_344 : vector<128xf32> to vector<1x128xf32>
    %eq3A_346 = vector.broadcast %broadcast_in_dim3A_345 : vector<1x128xf32> to vector<320x128xf32>
    %eq3A_347 = arith.cmpf oeq, %select_n3A_342, %eq3A_346 : vector<320x128xf32>
    %jit3A_348 = arith.constant 5.120000e+03 : f32
    %broadcast_in_dim3A_349 = vector.broadcast %jit3A_348 : f32 to vector<320x128xf32>
    %select_n3A_350 = arith.select %eq3A_347, %concatenate3A_161, %broadcast_in_dim3A_349 : vector<320x128xi1>, vector<320x128xf32>
    %reduce_min3A_351 = arith.constant dense<0x7F800000> : vector<128xf32>
    %reduce_min3A_352 = vector.multi_reduction <minimumf>, %select_n3A_350, %reduce_min3A_351 [0] : vector<320x128xf32> to vector<128xf32>
    %broadcast_in_dim3A_353 = vector.shape_cast %reduce_min3A_352 : vector<128xf32> to vector<1x128xf32>
    %eq3A_354 = vector.broadcast %broadcast_in_dim3A_353 : vector<1x128xf32> to vector<320x128xf32>
    %eq3A_355 = arith.cmpf oeq, %concatenate3A_161, %eq3A_354 : vector<320x128xf32>
    %jit3A_356 = arith.constant 1.000000e+30 : f32
    %broadcast_in_dim3A_357 = vector.broadcast %jit3A_356 : f32 to vector<320x128xf32>
    %select_n3A_358 = arith.select %eq3A_355, %broadcast_in_dim3A_357, %select_n3A_342 : vector<320x128xi1>, vector<320x128xf32>
    %reduce_min3A_359 = arith.constant dense<0x7F800000> : vector<128xf32>
    %reduce_min3A_360 = vector.multi_reduction <minimumf>, %select_n3A_358, %reduce_min3A_359 [0] : vector<320x128xf32> to vector<128xf32>
    %broadcast_in_dim3A_361 = vector.shape_cast %reduce_min3A_360 : vector<128xf32> to vector<1x128xf32>
    %eq3A_362 = vector.broadcast %broadcast_in_dim3A_361 : vector<1x128xf32> to vector<320x128xf32>
    %eq3A_363 = arith.cmpf oeq, %select_n3A_358, %eq3A_362 : vector<320x128xf32>
    %jit3A_364 = arith.constant 5.120000e+03 : f32
    %broadcast_in_dim3A_365 = vector.broadcast %jit3A_364 : f32 to vector<320x128xf32>
    %select_n3A_366 = arith.select %eq3A_363, %concatenate3A_161, %broadcast_in_dim3A_365 : vector<320x128xi1>, vector<320x128xf32>
    %reduce_min3A_367 = arith.constant dense<0x7F800000> : vector<128xf32>
    %reduce_min3A_368 = vector.multi_reduction <minimumf>, %select_n3A_366, %reduce_min3A_367 [0] : vector<320x128xf32> to vector<128xf32>
    %broadcast_in_dim3A_369 = vector.shape_cast %reduce_min3A_368 : vector<128xf32> to vector<1x128xf32>
    %eq3A_370 = vector.broadcast %broadcast_in_dim3A_369 : vector<1x128xf32> to vector<320x128xf32>
    %eq3A_371 = arith.cmpf oeq, %concatenate3A_161, %eq3A_370 : vector<320x128xf32>
    %jit3A_372 = arith.constant 1.000000e+30 : f32
    %broadcast_in_dim3A_373 = vector.broadcast %jit3A_372 : f32 to vector<320x128xf32>
    %select_n3A_374 = arith.select %eq3A_371, %broadcast_in_dim3A_373, %select_n3A_358 : vector<320x128xi1>, vector<320x128xf32>
    %reduce_min3A_375 = arith.constant dense<0x7F800000> : vector<128xf32>
    %reduce_min3A_376 = vector.multi_reduction <minimumf>, %select_n3A_374, %reduce_min3A_375 [0] : vector<320x128xf32> to vector<128xf32>
    %broadcast_in_dim3A_377 = vector.shape_cast %reduce_min3A_376 : vector<128xf32> to vector<1x128xf32>
    %eq3A_378 = vector.broadcast %broadcast_in_dim3A_377 : vector<1x128xf32> to vector<320x128xf32>
    %eq3A_379 = arith.cmpf oeq, %select_n3A_374, %eq3A_378 : vector<320x128xf32>
    %jit3A_380 = arith.constant 5.120000e+03 : f32
    %broadcast_in_dim3A_381 = vector.broadcast %jit3A_380 : f32 to vector<320x128xf32>
    %select_n3A_382 = arith.select %eq3A_379, %concatenate3A_161, %broadcast_in_dim3A_381 : vector<320x128xi1>, vector<320x128xf32>
    %reduce_min3A_383 = arith.constant dense<0x7F800000> : vector<128xf32>
    %reduce_min3A_384 = vector.multi_reduction <minimumf>, %select_n3A_382, %reduce_min3A_383 [0] : vector<320x128xf32> to vector<128xf32>
    %broadcast_in_dim3A_385 = vector.shape_cast %reduce_min3A_384 : vector<128xf32> to vector<1x128xf32>
    %eq3A_386 = vector.broadcast %broadcast_in_dim3A_385 : vector<1x128xf32> to vector<320x128xf32>
    %eq3A_387 = arith.cmpf oeq, %concatenate3A_161, %eq3A_386 : vector<320x128xf32>
    %jit3A_388 = arith.constant 1.000000e+30 : f32
    %broadcast_in_dim3A_389 = vector.broadcast %jit3A_388 : f32 to vector<320x128xf32>
    %select_n3A_390 = arith.select %eq3A_387, %broadcast_in_dim3A_389, %select_n3A_374 : vector<320x128xi1>, vector<320x128xf32>
    %reduce_min3A_391 = arith.constant dense<0x7F800000> : vector<128xf32>
    %reduce_min3A_392 = vector.multi_reduction <minimumf>, %select_n3A_390, %reduce_min3A_391 [0] : vector<320x128xf32> to vector<128xf32>
    %broadcast_in_dim3A_393 = vector.shape_cast %reduce_min3A_392 : vector<128xf32> to vector<1x128xf32>
    %eq3A_394 = vector.broadcast %broadcast_in_dim3A_393 : vector<1x128xf32> to vector<320x128xf32>
    %eq3A_395 = arith.cmpf oeq, %select_n3A_390, %eq3A_394 : vector<320x128xf32>
    %jit3A_396 = arith.constant 5.120000e+03 : f32
    %broadcast_in_dim3A_397 = vector.broadcast %jit3A_396 : f32 to vector<320x128xf32>
    %select_n3A_398 = arith.select %eq3A_395, %concatenate3A_161, %broadcast_in_dim3A_397 : vector<320x128xi1>, vector<320x128xf32>
    %reduce_min3A_399 = arith.constant dense<0x7F800000> : vector<128xf32>
    %reduce_min3A_400 = vector.multi_reduction <minimumf>, %select_n3A_398, %reduce_min3A_399 [0] : vector<320x128xf32> to vector<128xf32>
    %broadcast_in_dim3A_401 = vector.shape_cast %reduce_min3A_400 : vector<128xf32> to vector<1x128xf32>
    %eq3A_402 = vector.broadcast %broadcast_in_dim3A_401 : vector<1x128xf32> to vector<320x128xf32>
    %eq3A_403 = arith.cmpf oeq, %concatenate3A_161, %eq3A_402 : vector<320x128xf32>
    %jit3A_404 = arith.constant 1.000000e+30 : f32
    %broadcast_in_dim3A_405 = vector.broadcast %jit3A_404 : f32 to vector<320x128xf32>
    %select_n3A_406 = arith.select %eq3A_403, %broadcast_in_dim3A_405, %select_n3A_390 : vector<320x128xi1>, vector<320x128xf32>
    %reduce_min3A_407 = arith.constant dense<0x7F800000> : vector<128xf32>
    %reduce_min3A_408 = vector.multi_reduction <minimumf>, %select_n3A_406, %reduce_min3A_407 [0] : vector<320x128xf32> to vector<128xf32>
    %broadcast_in_dim3A_409 = vector.shape_cast %reduce_min3A_408 : vector<128xf32> to vector<1x128xf32>
    %eq3A_410 = vector.broadcast %broadcast_in_dim3A_409 : vector<1x128xf32> to vector<320x128xf32>
    %eq3A_411 = arith.cmpf oeq, %select_n3A_406, %eq3A_410 : vector<320x128xf32>
    %jit3A_412 = arith.constant 5.120000e+03 : f32
    %broadcast_in_dim3A_413 = vector.broadcast %jit3A_412 : f32 to vector<320x128xf32>
    %select_n3A_414 = arith.select %eq3A_411, %concatenate3A_161, %broadcast_in_dim3A_413 : vector<320x128xi1>, vector<320x128xf32>
    %reduce_min3A_415 = arith.constant dense<0x7F800000> : vector<128xf32>
    %reduce_min3A_416 = vector.multi_reduction <minimumf>, %select_n3A_414, %reduce_min3A_415 [0] : vector<320x128xf32> to vector<128xf32>
    %broadcast_in_dim3A_417 = vector.shape_cast %reduce_min3A_416 : vector<128xf32> to vector<1x128xf32>
    %eq3A_418 = vector.broadcast %broadcast_in_dim3A_417 : vector<1x128xf32> to vector<320x128xf32>
    %eq3A_419 = arith.cmpf oeq, %concatenate3A_161, %eq3A_418 : vector<320x128xf32>
    %jit3A_420 = arith.constant 1.000000e+30 : f32
    %broadcast_in_dim3A_421 = vector.broadcast %jit3A_420 : f32 to vector<320x128xf32>
    %select_n3A_422 = arith.select %eq3A_419, %broadcast_in_dim3A_421, %select_n3A_406 : vector<320x128xi1>, vector<320x128xf32>
    %reduce_min3A_423 = arith.constant dense<0x7F800000> : vector<128xf32>
    %reduce_min3A_424 = vector.multi_reduction <minimumf>, %select_n3A_422, %reduce_min3A_423 [0] : vector<320x128xf32> to vector<128xf32>
    %broadcast_in_dim3A_425 = vector.shape_cast %reduce_min3A_424 : vector<128xf32> to vector<1x128xf32>
    %eq3A_426 = vector.broadcast %broadcast_in_dim3A_425 : vector<1x128xf32> to vector<320x128xf32>
    %eq3A_427 = arith.cmpf oeq, %select_n3A_422, %eq3A_426 : vector<320x128xf32>
    %jit3A_428 = arith.constant 5.120000e+03 : f32
    %broadcast_in_dim3A_429 = vector.broadcast %jit3A_428 : f32 to vector<320x128xf32>
    %select_n3A_430 = arith.select %eq3A_427, %concatenate3A_161, %broadcast_in_dim3A_429 : vector<320x128xi1>, vector<320x128xf32>
    %reduce_min3A_431 = arith.constant dense<0x7F800000> : vector<128xf32>
    %reduce_min3A_432 = vector.multi_reduction <minimumf>, %select_n3A_430, %reduce_min3A_431 [0] : vector<320x128xf32> to vector<128xf32>
    %broadcast_in_dim3A_433 = vector.shape_cast %reduce_min3A_432 : vector<128xf32> to vector<1x128xf32>
    %eq3A_434 = vector.broadcast %broadcast_in_dim3A_433 : vector<1x128xf32> to vector<320x128xf32>
    %eq3A_435 = arith.cmpf oeq, %concatenate3A_161, %eq3A_434 : vector<320x128xf32>
    %jit3A_436 = arith.constant 1.000000e+30 : f32
    %broadcast_in_dim3A_437 = vector.broadcast %jit3A_436 : f32 to vector<320x128xf32>
    %select_n3A_438 = arith.select %eq3A_435, %broadcast_in_dim3A_437, %select_n3A_422 : vector<320x128xi1>, vector<320x128xf32>
    %reduce_min3A_439 = arith.constant dense<0x7F800000> : vector<128xf32>
    %reduce_min3A_440 = vector.multi_reduction <minimumf>, %select_n3A_438, %reduce_min3A_439 [0] : vector<320x128xf32> to vector<128xf32>
    %broadcast_in_dim3A_441 = vector.shape_cast %reduce_min3A_440 : vector<128xf32> to vector<1x128xf32>
    %eq3A_442 = vector.broadcast %broadcast_in_dim3A_441 : vector<1x128xf32> to vector<320x128xf32>
    %eq3A_443 = arith.cmpf oeq, %select_n3A_438, %eq3A_442 : vector<320x128xf32>
    %jit3A_444 = arith.constant 5.120000e+03 : f32
    %broadcast_in_dim3A_445 = vector.broadcast %jit3A_444 : f32 to vector<320x128xf32>
    %select_n3A_446 = arith.select %eq3A_443, %concatenate3A_161, %broadcast_in_dim3A_445 : vector<320x128xi1>, vector<320x128xf32>
    %reduce_min3A_447 = arith.constant dense<0x7F800000> : vector<128xf32>
    %reduce_min3A_448 = vector.multi_reduction <minimumf>, %select_n3A_446, %reduce_min3A_447 [0] : vector<320x128xf32> to vector<128xf32>
    %broadcast_in_dim3A_449 = vector.shape_cast %reduce_min3A_448 : vector<128xf32> to vector<1x128xf32>
    %eq3A_450 = vector.broadcast %broadcast_in_dim3A_449 : vector<1x128xf32> to vector<320x128xf32>
    %eq3A_451 = arith.cmpf oeq, %concatenate3A_161, %eq3A_450 : vector<320x128xf32>
    %jit3A_452 = arith.constant 1.000000e+30 : f32
    %broadcast_in_dim3A_453 = vector.broadcast %jit3A_452 : f32 to vector<320x128xf32>
    %select_n3A_454 = arith.select %eq3A_451, %broadcast_in_dim3A_453, %select_n3A_438 : vector<320x128xi1>, vector<320x128xf32>
    %reduce_min3A_455 = arith.constant dense<0x7F800000> : vector<128xf32>
    %reduce_min3A_456 = vector.multi_reduction <minimumf>, %select_n3A_454, %reduce_min3A_455 [0] : vector<320x128xf32> to vector<128xf32>
    %broadcast_in_dim3A_457 = vector.shape_cast %reduce_min3A_456 : vector<128xf32> to vector<1x128xf32>
    %eq3A_458 = vector.broadcast %broadcast_in_dim3A_457 : vector<1x128xf32> to vector<320x128xf32>
    %eq3A_459 = arith.cmpf oeq, %select_n3A_454, %eq3A_458 : vector<320x128xf32>
    %jit3A_460 = arith.constant 5.120000e+03 : f32
    %broadcast_in_dim3A_461 = vector.broadcast %jit3A_460 : f32 to vector<320x128xf32>
    %select_n3A_462 = arith.select %eq3A_459, %concatenate3A_161, %broadcast_in_dim3A_461 : vector<320x128xi1>, vector<320x128xf32>
    %reduce_min3A_463 = arith.constant dense<0x7F800000> : vector<128xf32>
    %reduce_min3A_464 = vector.multi_reduction <minimumf>, %select_n3A_462, %reduce_min3A_463 [0] : vector<320x128xf32> to vector<128xf32>
    %broadcast_in_dim3A_465 = vector.shape_cast %reduce_min3A_464 : vector<128xf32> to vector<1x128xf32>
    %eq3A_466 = vector.broadcast %broadcast_in_dim3A_465 : vector<1x128xf32> to vector<320x128xf32>
    %eq3A_467 = arith.cmpf oeq, %concatenate3A_161, %eq3A_466 : vector<320x128xf32>
    %jit3A_468 = arith.constant 1.000000e+30 : f32
    %broadcast_in_dim3A_469 = vector.broadcast %jit3A_468 : f32 to vector<320x128xf32>
    %select_n3A_470 = arith.select %eq3A_467, %broadcast_in_dim3A_469, %select_n3A_454 : vector<320x128xi1>, vector<320x128xf32>
    %reduce_min3A_471 = arith.constant dense<0x7F800000> : vector<128xf32>
    %reduce_min3A_472 = vector.multi_reduction <minimumf>, %select_n3A_470, %reduce_min3A_471 [0] : vector<320x128xf32> to vector<128xf32>
    %broadcast_in_dim3A_473 = vector.shape_cast %reduce_min3A_472 : vector<128xf32> to vector<1x128xf32>
    %eq3A_474 = vector.broadcast %broadcast_in_dim3A_473 : vector<1x128xf32> to vector<320x128xf32>
    %eq3A_475 = arith.cmpf oeq, %select_n3A_470, %eq3A_474 : vector<320x128xf32>
    %jit3A_476 = arith.constant 5.120000e+03 : f32
    %broadcast_in_dim3A_477 = vector.broadcast %jit3A_476 : f32 to vector<320x128xf32>
    %select_n3A_478 = arith.select %eq3A_475, %concatenate3A_161, %broadcast_in_dim3A_477 : vector<320x128xi1>, vector<320x128xf32>
    %reduce_min3A_479 = arith.constant dense<0x7F800000> : vector<128xf32>
    %reduce_min3A_480 = vector.multi_reduction <minimumf>, %select_n3A_478, %reduce_min3A_479 [0] : vector<320x128xf32> to vector<128xf32>
    %broadcast_in_dim3A_481 = vector.shape_cast %reduce_min3A_480 : vector<128xf32> to vector<1x128xf32>
    %eq3A_482 = vector.broadcast %broadcast_in_dim3A_481 : vector<1x128xf32> to vector<320x128xf32>
    %eq3A_483 = arith.cmpf oeq, %concatenate3A_161, %eq3A_482 : vector<320x128xf32>
    %jit3A_484 = arith.constant 1.000000e+30 : f32
    %broadcast_in_dim3A_485 = vector.broadcast %jit3A_484 : f32 to vector<320x128xf32>
    %select_n3A_486 = arith.select %eq3A_483, %broadcast_in_dim3A_485, %select_n3A_470 : vector<320x128xi1>, vector<320x128xf32>
    %reduce_min3A_487 = arith.constant dense<0x7F800000> : vector<128xf32>
    %reduce_min3A_488 = vector.multi_reduction <minimumf>, %select_n3A_486, %reduce_min3A_487 [0] : vector<320x128xf32> to vector<128xf32>
    %broadcast_in_dim3A_489 = vector.shape_cast %reduce_min3A_488 : vector<128xf32> to vector<1x128xf32>
    %eq3A_490 = vector.broadcast %broadcast_in_dim3A_489 : vector<1x128xf32> to vector<320x128xf32>
    %eq3A_491 = arith.cmpf oeq, %select_n3A_486, %eq3A_490 : vector<320x128xf32>
    %jit3A_492 = arith.constant 5.120000e+03 : f32
    %broadcast_in_dim3A_493 = vector.broadcast %jit3A_492 : f32 to vector<320x128xf32>
    %select_n3A_494 = arith.select %eq3A_491, %concatenate3A_161, %broadcast_in_dim3A_493 : vector<320x128xi1>, vector<320x128xf32>
    %reduce_min3A_495 = arith.constant dense<0x7F800000> : vector<128xf32>
    %reduce_min3A_496 = vector.multi_reduction <minimumf>, %select_n3A_494, %reduce_min3A_495 [0] : vector<320x128xf32> to vector<128xf32>
    %broadcast_in_dim3A_497 = vector.shape_cast %reduce_min3A_496 : vector<128xf32> to vector<1x128xf32>
    %eq3A_498 = vector.broadcast %broadcast_in_dim3A_497 : vector<1x128xf32> to vector<320x128xf32>
    %eq3A_499 = arith.cmpf oeq, %concatenate3A_161, %eq3A_498 : vector<320x128xf32>
    %jit3A_500 = arith.constant 1.000000e+30 : f32
    %broadcast_in_dim3A_501 = vector.broadcast %jit3A_500 : f32 to vector<320x128xf32>
    %select_n3A_502 = arith.select %eq3A_499, %broadcast_in_dim3A_501, %select_n3A_486 : vector<320x128xi1>, vector<320x128xf32>
    %reduce_min3A_503 = arith.constant dense<0x7F800000> : vector<128xf32>
    %reduce_min3A_504 = vector.multi_reduction <minimumf>, %select_n3A_502, %reduce_min3A_503 [0] : vector<320x128xf32> to vector<128xf32>
    %broadcast_in_dim3A_505 = vector.shape_cast %reduce_min3A_504 : vector<128xf32> to vector<1x128xf32>
    %eq3A_506 = vector.broadcast %broadcast_in_dim3A_505 : vector<1x128xf32> to vector<320x128xf32>
    %eq3A_507 = arith.cmpf oeq, %select_n3A_502, %eq3A_506 : vector<320x128xf32>
    %jit3A_508 = arith.constant 5.120000e+03 : f32
    %broadcast_in_dim3A_509 = vector.broadcast %jit3A_508 : f32 to vector<320x128xf32>
    %select_n3A_510 = arith.select %eq3A_507, %concatenate3A_161, %broadcast_in_dim3A_509 : vector<320x128xi1>, vector<320x128xf32>
    %reduce_min3A_511 = arith.constant dense<0x7F800000> : vector<128xf32>
    %reduce_min3A_512 = vector.multi_reduction <minimumf>, %select_n3A_510, %reduce_min3A_511 [0] : vector<320x128xf32> to vector<128xf32>
    %broadcast_in_dim3A_513 = vector.shape_cast %reduce_min3A_512 : vector<128xf32> to vector<1x128xf32>
    %eq3A_514 = vector.broadcast %broadcast_in_dim3A_513 : vector<1x128xf32> to vector<320x128xf32>
    %eq3A_515 = arith.cmpf oeq, %concatenate3A_161, %eq3A_514 : vector<320x128xf32>
    %jit3A_516 = arith.constant 1.000000e+30 : f32
    %broadcast_in_dim3A_517 = vector.broadcast %jit3A_516 : f32 to vector<320x128xf32>
    %select_n3A_518 = arith.select %eq3A_515, %broadcast_in_dim3A_517, %select_n3A_502 : vector<320x128xi1>, vector<320x128xf32>
    %reduce_min3A_519 = arith.constant dense<0x7F800000> : vector<128xf32>
    %reduce_min3A_520 = vector.multi_reduction <minimumf>, %select_n3A_518, %reduce_min3A_519 [0] : vector<320x128xf32> to vector<128xf32>
    %broadcast_in_dim3A_521 = vector.shape_cast %reduce_min3A_520 : vector<128xf32> to vector<1x128xf32>
    %eq3A_522 = vector.broadcast %broadcast_in_dim3A_521 : vector<1x128xf32> to vector<320x128xf32>
    %eq3A_523 = arith.cmpf oeq, %select_n3A_518, %eq3A_522 : vector<320x128xf32>
    %jit3A_524 = arith.constant 5.120000e+03 : f32
    %broadcast_in_dim3A_525 = vector.broadcast %jit3A_524 : f32 to vector<320x128xf32>
    %select_n3A_526 = arith.select %eq3A_523, %concatenate3A_161, %broadcast_in_dim3A_525 : vector<320x128xi1>, vector<320x128xf32>
    %reduce_min3A_527 = arith.constant dense<0x7F800000> : vector<128xf32>
    %reduce_min3A_528 = vector.multi_reduction <minimumf>, %select_n3A_526, %reduce_min3A_527 [0] : vector<320x128xf32> to vector<128xf32>
    %broadcast_in_dim3A_529 = vector.shape_cast %reduce_min3A_528 : vector<128xf32> to vector<1x128xf32>
    %eq3A_530 = vector.broadcast %broadcast_in_dim3A_529 : vector<1x128xf32> to vector<320x128xf32>
    %eq3A_531 = arith.cmpf oeq, %concatenate3A_161, %eq3A_530 : vector<320x128xf32>
    %jit3A_532 = arith.constant 1.000000e+30 : f32
    %broadcast_in_dim3A_533 = vector.broadcast %jit3A_532 : f32 to vector<320x128xf32>
    %select_n3A_534 = arith.select %eq3A_531, %broadcast_in_dim3A_533, %select_n3A_518 : vector<320x128xi1>, vector<320x128xf32>
    %reduce_min3A_535 = arith.constant dense<0x7F800000> : vector<128xf32>
    %reduce_min3A_536 = vector.multi_reduction <minimumf>, %select_n3A_534, %reduce_min3A_535 [0] : vector<320x128xf32> to vector<128xf32>
    %broadcast_in_dim3A_537 = vector.shape_cast %reduce_min3A_536 : vector<128xf32> to vector<1x128xf32>
    %eq3A_538 = vector.broadcast %broadcast_in_dim3A_537 : vector<1x128xf32> to vector<320x128xf32>
    %eq3A_539 = arith.cmpf oeq, %select_n3A_534, %eq3A_538 : vector<320x128xf32>
    %jit3A_540 = arith.constant 5.120000e+03 : f32
    %broadcast_in_dim3A_541 = vector.broadcast %jit3A_540 : f32 to vector<320x128xf32>
    %select_n3A_542 = arith.select %eq3A_539, %concatenate3A_161, %broadcast_in_dim3A_541 : vector<320x128xi1>, vector<320x128xf32>
    %reduce_min3A_543 = arith.constant dense<0x7F800000> : vector<128xf32>
    %reduce_min3A_544 = vector.multi_reduction <minimumf>, %select_n3A_542, %reduce_min3A_543 [0] : vector<320x128xf32> to vector<128xf32>
    %broadcast_in_dim3A_545 = vector.shape_cast %reduce_min3A_544 : vector<128xf32> to vector<1x128xf32>
    %eq3A_546 = vector.broadcast %broadcast_in_dim3A_545 : vector<1x128xf32> to vector<320x128xf32>
    %eq3A_547 = arith.cmpf oeq, %concatenate3A_161, %eq3A_546 : vector<320x128xf32>
    %jit3A_548 = arith.constant 1.000000e+30 : f32
    %broadcast_in_dim3A_549 = vector.broadcast %jit3A_548 : f32 to vector<320x128xf32>
    %select_n3A_550 = arith.select %eq3A_547, %broadcast_in_dim3A_549, %select_n3A_534 : vector<320x128xi1>, vector<320x128xf32>
    %reduce_min3A_551 = arith.constant dense<0x7F800000> : vector<128xf32>
    %reduce_min3A_552 = vector.multi_reduction <minimumf>, %select_n3A_550, %reduce_min3A_551 [0] : vector<320x128xf32> to vector<128xf32>
    %broadcast_in_dim3A_553 = vector.shape_cast %reduce_min3A_552 : vector<128xf32> to vector<1x128xf32>
    %eq3A_554 = vector.broadcast %broadcast_in_dim3A_553 : vector<1x128xf32> to vector<320x128xf32>
    %eq3A_555 = arith.cmpf oeq, %select_n3A_550, %eq3A_554 : vector<320x128xf32>
    %jit3A_556 = arith.constant 5.120000e+03 : f32
    %broadcast_in_dim3A_557 = vector.broadcast %jit3A_556 : f32 to vector<320x128xf32>
    %select_n3A_558 = arith.select %eq3A_555, %concatenate3A_161, %broadcast_in_dim3A_557 : vector<320x128xi1>, vector<320x128xf32>
    %reduce_min3A_559 = arith.constant dense<0x7F800000> : vector<128xf32>
    %reduce_min3A_560 = vector.multi_reduction <minimumf>, %select_n3A_558, %reduce_min3A_559 [0] : vector<320x128xf32> to vector<128xf32>
    %broadcast_in_dim3A_561 = vector.shape_cast %reduce_min3A_560 : vector<128xf32> to vector<1x128xf32>
    %eq3A_562 = vector.broadcast %broadcast_in_dim3A_561 : vector<1x128xf32> to vector<320x128xf32>
    %eq3A_563 = arith.cmpf oeq, %concatenate3A_161, %eq3A_562 : vector<320x128xf32>
    %jit3A_564 = arith.constant 1.000000e+30 : f32
    %broadcast_in_dim3A_565 = vector.broadcast %jit3A_564 : f32 to vector<320x128xf32>
    %select_n3A_566 = arith.select %eq3A_563, %broadcast_in_dim3A_565, %select_n3A_550 : vector<320x128xi1>, vector<320x128xf32>
    %reduce_min3A_567 = arith.constant dense<0x7F800000> : vector<128xf32>
    %reduce_min3A_568 = vector.multi_reduction <minimumf>, %select_n3A_566, %reduce_min3A_567 [0] : vector<320x128xf32> to vector<128xf32>
    %broadcast_in_dim3A_569 = vector.shape_cast %reduce_min3A_568 : vector<128xf32> to vector<1x128xf32>
    %eq3A_570 = vector.broadcast %broadcast_in_dim3A_569 : vector<1x128xf32> to vector<320x128xf32>
    %eq3A_571 = arith.cmpf oeq, %select_n3A_566, %eq3A_570 : vector<320x128xf32>
    %jit3A_572 = arith.constant 5.120000e+03 : f32
    %broadcast_in_dim3A_573 = vector.broadcast %jit3A_572 : f32 to vector<320x128xf32>
    %select_n3A_574 = arith.select %eq3A_571, %concatenate3A_161, %broadcast_in_dim3A_573 : vector<320x128xi1>, vector<320x128xf32>
    %reduce_min3A_575 = arith.constant dense<0x7F800000> : vector<128xf32>
    %reduce_min3A_576 = vector.multi_reduction <minimumf>, %select_n3A_574, %reduce_min3A_575 [0] : vector<320x128xf32> to vector<128xf32>
    %broadcast_in_dim3A_577 = vector.shape_cast %reduce_min3A_576 : vector<128xf32> to vector<1x128xf32>
    %eq3A_578 = vector.broadcast %broadcast_in_dim3A_577 : vector<1x128xf32> to vector<320x128xf32>
    %eq3A_579 = arith.cmpf oeq, %concatenate3A_161, %eq3A_578 : vector<320x128xf32>
    %jit3A_580 = arith.constant 1.000000e+30 : f32
    %broadcast_in_dim3A_581 = vector.broadcast %jit3A_580 : f32 to vector<320x128xf32>
    %select_n3A_582 = arith.select %eq3A_579, %broadcast_in_dim3A_581, %select_n3A_566 : vector<320x128xi1>, vector<320x128xf32>
    %reduce_min3A_583 = arith.constant dense<0x7F800000> : vector<128xf32>
    %reduce_min3A_584 = vector.multi_reduction <minimumf>, %select_n3A_582, %reduce_min3A_583 [0] : vector<320x128xf32> to vector<128xf32>
    %broadcast_in_dim3A_585 = vector.shape_cast %reduce_min3A_584 : vector<128xf32> to vector<1x128xf32>
    %eq3A_586 = vector.broadcast %broadcast_in_dim3A_585 : vector<1x128xf32> to vector<320x128xf32>
    %eq3A_587 = arith.cmpf oeq, %select_n3A_582, %eq3A_586 : vector<320x128xf32>
    %jit3A_588 = arith.constant 5.120000e+03 : f32
    %broadcast_in_dim3A_589 = vector.broadcast %jit3A_588 : f32 to vector<320x128xf32>
    %select_n3A_590 = arith.select %eq3A_587, %concatenate3A_161, %broadcast_in_dim3A_589 : vector<320x128xi1>, vector<320x128xf32>
    %reduce_min3A_591 = arith.constant dense<0x7F800000> : vector<128xf32>
    %reduce_min3A_592 = vector.multi_reduction <minimumf>, %select_n3A_590, %reduce_min3A_591 [0] : vector<320x128xf32> to vector<128xf32>
    %broadcast_in_dim3A_593 = vector.shape_cast %reduce_min3A_592 : vector<128xf32> to vector<1x128xf32>
    %eq3A_594 = vector.broadcast %broadcast_in_dim3A_593 : vector<1x128xf32> to vector<320x128xf32>
    %eq3A_595 = arith.cmpf oeq, %concatenate3A_161, %eq3A_594 : vector<320x128xf32>
    %jit3A_596 = arith.constant 1.000000e+30 : f32
    %broadcast_in_dim3A_597 = vector.broadcast %jit3A_596 : f32 to vector<320x128xf32>
    %select_n3A_598 = arith.select %eq3A_595, %broadcast_in_dim3A_597, %select_n3A_582 : vector<320x128xi1>, vector<320x128xf32>
    %reduce_min3A_599 = arith.constant dense<0x7F800000> : vector<128xf32>
    %reduce_min3A_600 = vector.multi_reduction <minimumf>, %select_n3A_598, %reduce_min3A_599 [0] : vector<320x128xf32> to vector<128xf32>
    %broadcast_in_dim3A_601 = vector.shape_cast %reduce_min3A_600 : vector<128xf32> to vector<1x128xf32>
    %eq3A_602 = vector.broadcast %broadcast_in_dim3A_601 : vector<1x128xf32> to vector<320x128xf32>
    %eq3A_603 = arith.cmpf oeq, %select_n3A_598, %eq3A_602 : vector<320x128xf32>
    %jit3A_604 = arith.constant 5.120000e+03 : f32
    %broadcast_in_dim3A_605 = vector.broadcast %jit3A_604 : f32 to vector<320x128xf32>
    %select_n3A_606 = arith.select %eq3A_603, %concatenate3A_161, %broadcast_in_dim3A_605 : vector<320x128xi1>, vector<320x128xf32>
    %reduce_min3A_607 = arith.constant dense<0x7F800000> : vector<128xf32>
    %reduce_min3A_608 = vector.multi_reduction <minimumf>, %select_n3A_606, %reduce_min3A_607 [0] : vector<320x128xf32> to vector<128xf32>
    %broadcast_in_dim3A_609 = vector.shape_cast %reduce_min3A_608 : vector<128xf32> to vector<1x128xf32>
    %eq3A_610 = vector.broadcast %broadcast_in_dim3A_609 : vector<1x128xf32> to vector<320x128xf32>
    %eq3A_611 = arith.cmpf oeq, %concatenate3A_161, %eq3A_610 : vector<320x128xf32>
    %jit3A_612 = arith.constant 1.000000e+30 : f32
    %broadcast_in_dim3A_613 = vector.broadcast %jit3A_612 : f32 to vector<320x128xf32>
    %select_n3A_614 = arith.select %eq3A_611, %broadcast_in_dim3A_613, %select_n3A_598 : vector<320x128xi1>, vector<320x128xf32>
    %reduce_min3A_615 = arith.constant dense<0x7F800000> : vector<128xf32>
    %reduce_min3A_616 = vector.multi_reduction <minimumf>, %select_n3A_614, %reduce_min3A_615 [0] : vector<320x128xf32> to vector<128xf32>
    %broadcast_in_dim3A_617 = vector.shape_cast %reduce_min3A_616 : vector<128xf32> to vector<1x128xf32>
    %eq3A_618 = vector.broadcast %broadcast_in_dim3A_617 : vector<1x128xf32> to vector<320x128xf32>
    %eq3A_619 = arith.cmpf oeq, %select_n3A_614, %eq3A_618 : vector<320x128xf32>
    %jit3A_620 = arith.constant 5.120000e+03 : f32
    %broadcast_in_dim3A_621 = vector.broadcast %jit3A_620 : f32 to vector<320x128xf32>
    %select_n3A_622 = arith.select %eq3A_619, %concatenate3A_161, %broadcast_in_dim3A_621 : vector<320x128xi1>, vector<320x128xf32>
    %reduce_min3A_623 = arith.constant dense<0x7F800000> : vector<128xf32>
    %reduce_min3A_624 = vector.multi_reduction <minimumf>, %select_n3A_622, %reduce_min3A_623 [0] : vector<320x128xf32> to vector<128xf32>
    %broadcast_in_dim3A_625 = vector.shape_cast %reduce_min3A_624 : vector<128xf32> to vector<1x128xf32>
    %eq3A_626 = vector.broadcast %broadcast_in_dim3A_625 : vector<1x128xf32> to vector<320x128xf32>
    %eq3A_627 = arith.cmpf oeq, %concatenate3A_161, %eq3A_626 : vector<320x128xf32>
    %jit3A_628 = arith.constant 1.000000e+30 : f32
    %broadcast_in_dim3A_629 = vector.broadcast %jit3A_628 : f32 to vector<320x128xf32>
    %select_n3A_630 = arith.select %eq3A_627, %broadcast_in_dim3A_629, %select_n3A_614 : vector<320x128xi1>, vector<320x128xf32>
    %reduce_min3A_631 = arith.constant dense<0x7F800000> : vector<128xf32>
    %reduce_min3A_632 = vector.multi_reduction <minimumf>, %select_n3A_630, %reduce_min3A_631 [0] : vector<320x128xf32> to vector<128xf32>
    %broadcast_in_dim3A_633 = vector.shape_cast %reduce_min3A_632 : vector<128xf32> to vector<1x128xf32>
    %eq3A_634 = vector.broadcast %broadcast_in_dim3A_633 : vector<1x128xf32> to vector<320x128xf32>
    %eq3A_635 = arith.cmpf oeq, %select_n3A_630, %eq3A_634 : vector<320x128xf32>
    %jit3A_636 = arith.constant 5.120000e+03 : f32
    %broadcast_in_dim3A_637 = vector.broadcast %jit3A_636 : f32 to vector<320x128xf32>
    %select_n3A_638 = arith.select %eq3A_635, %concatenate3A_161, %broadcast_in_dim3A_637 : vector<320x128xi1>, vector<320x128xf32>
    %reduce_min3A_639 = arith.constant dense<0x7F800000> : vector<128xf32>
    %reduce_min3A_640 = vector.multi_reduction <minimumf>, %select_n3A_638, %reduce_min3A_639 [0] : vector<320x128xf32> to vector<128xf32>
    %broadcast_in_dim3A_641 = vector.shape_cast %reduce_min3A_640 : vector<128xf32> to vector<1x128xf32>
    %eq3A_642 = vector.broadcast %broadcast_in_dim3A_641 : vector<1x128xf32> to vector<320x128xf32>
    %eq3A_643 = arith.cmpf oeq, %concatenate3A_161, %eq3A_642 : vector<320x128xf32>
    %jit3A_644 = arith.constant 1.000000e+30 : f32
    %broadcast_in_dim3A_645 = vector.broadcast %jit3A_644 : f32 to vector<320x128xf32>
    %select_n3A_646 = arith.select %eq3A_643, %broadcast_in_dim3A_645, %select_n3A_630 : vector<320x128xi1>, vector<320x128xf32>
    %reduce_min3A_647 = arith.constant dense<0x7F800000> : vector<128xf32>
    %reduce_min3A_648 = vector.multi_reduction <minimumf>, %select_n3A_646, %reduce_min3A_647 [0] : vector<320x128xf32> to vector<128xf32>
    %broadcast_in_dim3A_649 = vector.shape_cast %reduce_min3A_648 : vector<128xf32> to vector<1x128xf32>
    %eq3A_650 = vector.broadcast %broadcast_in_dim3A_649 : vector<1x128xf32> to vector<320x128xf32>
    %eq3A_651 = arith.cmpf oeq, %select_n3A_646, %eq3A_650 : vector<320x128xf32>
    %jit3A_652 = arith.constant 5.120000e+03 : f32
    %broadcast_in_dim3A_653 = vector.broadcast %jit3A_652 : f32 to vector<320x128xf32>
    %select_n3A_654 = arith.select %eq3A_651, %concatenate3A_161, %broadcast_in_dim3A_653 : vector<320x128xi1>, vector<320x128xf32>
    %reduce_min3A_655 = arith.constant dense<0x7F800000> : vector<128xf32>
    %reduce_min3A_656 = vector.multi_reduction <minimumf>, %select_n3A_654, %reduce_min3A_655 [0] : vector<320x128xf32> to vector<128xf32>
    %broadcast_in_dim3A_657 = vector.shape_cast %reduce_min3A_656 : vector<128xf32> to vector<1x128xf32>
    %eq3A_658 = vector.broadcast %broadcast_in_dim3A_657 : vector<1x128xf32> to vector<320x128xf32>
    %eq3A_659 = arith.cmpf oeq, %concatenate3A_161, %eq3A_658 : vector<320x128xf32>
    %jit3A_660 = arith.constant 1.000000e+30 : f32
    %broadcast_in_dim3A_661 = vector.broadcast %jit3A_660 : f32 to vector<320x128xf32>
    %select_n3A_662 = arith.select %eq3A_659, %broadcast_in_dim3A_661, %select_n3A_646 : vector<320x128xi1>, vector<320x128xf32>
    %reduce_min3A_663 = arith.constant dense<0x7F800000> : vector<128xf32>
    %reduce_min3A_664 = vector.multi_reduction <minimumf>, %select_n3A_662, %reduce_min3A_663 [0] : vector<320x128xf32> to vector<128xf32>
    %broadcast_in_dim3A_665 = vector.shape_cast %reduce_min3A_664 : vector<128xf32> to vector<1x128xf32>
    %eq3A_666 = vector.broadcast %broadcast_in_dim3A_665 : vector<1x128xf32> to vector<320x128xf32>
    %eq3A_667 = arith.cmpf oeq, %select_n3A_662, %eq3A_666 : vector<320x128xf32>
    %jit3A_668 = arith.constant 5.120000e+03 : f32
    %broadcast_in_dim3A_669 = vector.broadcast %jit3A_668 : f32 to vector<320x128xf32>
    %select_n3A_670 = arith.select %eq3A_667, %concatenate3A_161, %broadcast_in_dim3A_669 : vector<320x128xi1>, vector<320x128xf32>
    %reduce_min3A_671 = arith.constant dense<0x7F800000> : vector<128xf32>
    %reduce_min3A_672 = vector.multi_reduction <minimumf>, %select_n3A_670, %reduce_min3A_671 [0] : vector<320x128xf32> to vector<128xf32>
    %broadcast_in_dim3A_673 = vector.shape_cast %reduce_min3A_672 : vector<128xf32> to vector<1x128xf32>
    %eq3A_674 = vector.broadcast %broadcast_in_dim3A_673 : vector<1x128xf32> to vector<320x128xf32>
    %eq3A_675 = arith.cmpf oeq, %concatenate3A_161, %eq3A_674 : vector<320x128xf32>
    %jit3A_676 = arith.constant 1.000000e+30 : f32
    %broadcast_in_dim3A_677 = vector.broadcast %jit3A_676 : f32 to vector<320x128xf32>
    %select_n3A_678 = arith.select %eq3A_675, %broadcast_in_dim3A_677, %select_n3A_662 : vector<320x128xi1>, vector<320x128xf32>
    %reduce_min3A_679 = arith.constant dense<0x7F800000> : vector<128xf32>
    %reduce_min3A_680 = vector.multi_reduction <minimumf>, %select_n3A_678, %reduce_min3A_679 [0] : vector<320x128xf32> to vector<128xf32>
    %broadcast_in_dim3A_681 = vector.shape_cast %reduce_min3A_680 : vector<128xf32> to vector<1x128xf32>
    %eq3A_682 = vector.broadcast %broadcast_in_dim3A_681 : vector<1x128xf32> to vector<320x128xf32>
    %eq3A_683 = arith.cmpf oeq, %select_n3A_678, %eq3A_682 : vector<320x128xf32>
    %jit3A_684 = arith.constant 5.120000e+03 : f32
    %broadcast_in_dim3A_685 = vector.broadcast %jit3A_684 : f32 to vector<320x128xf32>
    %select_n3A_686 = arith.select %eq3A_683, %concatenate3A_161, %broadcast_in_dim3A_685 : vector<320x128xi1>, vector<320x128xf32>
    %reduce_min3A_687 = arith.constant dense<0x7F800000> : vector<128xf32>
    %reduce_min3A_688 = vector.multi_reduction <minimumf>, %select_n3A_686, %reduce_min3A_687 [0] : vector<320x128xf32> to vector<128xf32>
    %broadcast_in_dim3A_689 = vector.shape_cast %reduce_min3A_688 : vector<128xf32> to vector<1x128xf32>
    %eq3A_690 = vector.broadcast %broadcast_in_dim3A_689 : vector<1x128xf32> to vector<320x128xf32>
    %eq3A_691 = arith.cmpf oeq, %concatenate3A_161, %eq3A_690 : vector<320x128xf32>
    %jit3A_692 = arith.constant 1.000000e+30 : f32
    %broadcast_in_dim3A_693 = vector.broadcast %jit3A_692 : f32 to vector<320x128xf32>
    %select_n3A_694 = arith.select %eq3A_691, %broadcast_in_dim3A_693, %select_n3A_678 : vector<320x128xi1>, vector<320x128xf32>
    %reduce_min3A_695 = arith.constant dense<0x7F800000> : vector<128xf32>
    %reduce_min3A_696 = vector.multi_reduction <minimumf>, %select_n3A_694, %reduce_min3A_695 [0] : vector<320x128xf32> to vector<128xf32>
    %broadcast_in_dim3A_697 = vector.shape_cast %reduce_min3A_696 : vector<128xf32> to vector<1x128xf32>
    %eq3A_698 = vector.broadcast %broadcast_in_dim3A_697 : vector<1x128xf32> to vector<320x128xf32>
    %eq3A_699 = arith.cmpf oeq, %select_n3A_694, %eq3A_698 : vector<320x128xf32>
    %jit3A_700 = arith.constant 5.120000e+03 : f32
    %broadcast_in_dim3A_701 = vector.broadcast %jit3A_700 : f32 to vector<320x128xf32>
    %select_n3A_702 = arith.select %eq3A_699, %concatenate3A_161, %broadcast_in_dim3A_701 : vector<320x128xi1>, vector<320x128xf32>
    %reduce_min3A_703 = arith.constant dense<0x7F800000> : vector<128xf32>
    %reduce_min3A_704 = vector.multi_reduction <minimumf>, %select_n3A_702, %reduce_min3A_703 [0] : vector<320x128xf32> to vector<128xf32>
    %broadcast_in_dim3A_705 = vector.shape_cast %reduce_min3A_704 : vector<128xf32> to vector<1x128xf32>
    %eq3A_706 = vector.broadcast %broadcast_in_dim3A_705 : vector<1x128xf32> to vector<320x128xf32>
    %eq3A_707 = arith.cmpf oeq, %concatenate3A_161, %eq3A_706 : vector<320x128xf32>
    %jit3A_708 = arith.constant 1.000000e+30 : f32
    %broadcast_in_dim3A_709 = vector.broadcast %jit3A_708 : f32 to vector<320x128xf32>
    %select_n3A_710 = arith.select %eq3A_707, %broadcast_in_dim3A_709, %select_n3A_694 : vector<320x128xi1>, vector<320x128xf32>
    %reduce_min3A_711 = arith.constant dense<0x7F800000> : vector<128xf32>
    %reduce_min3A_712 = vector.multi_reduction <minimumf>, %select_n3A_710, %reduce_min3A_711 [0] : vector<320x128xf32> to vector<128xf32>
    %broadcast_in_dim3A_713 = vector.shape_cast %reduce_min3A_712 : vector<128xf32> to vector<1x128xf32>
    %eq3A_714 = vector.broadcast %broadcast_in_dim3A_713 : vector<1x128xf32> to vector<320x128xf32>
    %eq3A_715 = arith.cmpf oeq, %select_n3A_710, %eq3A_714 : vector<320x128xf32>
    %jit3A_716 = arith.constant 5.120000e+03 : f32
    %broadcast_in_dim3A_717 = vector.broadcast %jit3A_716 : f32 to vector<320x128xf32>
    %select_n3A_718 = arith.select %eq3A_715, %concatenate3A_161, %broadcast_in_dim3A_717 : vector<320x128xi1>, vector<320x128xf32>
    %reduce_min3A_719 = arith.constant dense<0x7F800000> : vector<128xf32>
    %reduce_min3A_720 = vector.multi_reduction <minimumf>, %select_n3A_718, %reduce_min3A_719 [0] : vector<320x128xf32> to vector<128xf32>
    %broadcast_in_dim3A_721 = vector.shape_cast %reduce_min3A_720 : vector<128xf32> to vector<1x128xf32>
    %eq3A_722 = vector.broadcast %broadcast_in_dim3A_721 : vector<1x128xf32> to vector<320x128xf32>
    %eq3A_723 = arith.cmpf oeq, %concatenate3A_161, %eq3A_722 : vector<320x128xf32>
    %jit3A_724 = arith.constant 1.000000e+30 : f32
    %broadcast_in_dim3A_725 = vector.broadcast %jit3A_724 : f32 to vector<320x128xf32>
    %select_n3A_726 = arith.select %eq3A_723, %broadcast_in_dim3A_725, %select_n3A_710 : vector<320x128xi1>, vector<320x128xf32>
    %reduce_min3A_727 = arith.constant dense<0x7F800000> : vector<128xf32>
    %reduce_min3A_728 = vector.multi_reduction <minimumf>, %select_n3A_726, %reduce_min3A_727 [0] : vector<320x128xf32> to vector<128xf32>
    %broadcast_in_dim3A_729 = vector.shape_cast %reduce_min3A_728 : vector<128xf32> to vector<1x128xf32>
    %eq3A_730 = vector.broadcast %broadcast_in_dim3A_729 : vector<1x128xf32> to vector<320x128xf32>
    %eq3A_731 = arith.cmpf oeq, %select_n3A_726, %eq3A_730 : vector<320x128xf32>
    %jit3A_732 = arith.constant 5.120000e+03 : f32
    %broadcast_in_dim3A_733 = vector.broadcast %jit3A_732 : f32 to vector<320x128xf32>
    %select_n3A_734 = arith.select %eq3A_731, %concatenate3A_161, %broadcast_in_dim3A_733 : vector<320x128xi1>, vector<320x128xf32>
    %reduce_min3A_735 = arith.constant dense<0x7F800000> : vector<128xf32>
    %reduce_min3A_736 = vector.multi_reduction <minimumf>, %select_n3A_734, %reduce_min3A_735 [0] : vector<320x128xf32> to vector<128xf32>
    %broadcast_in_dim3A_737 = vector.shape_cast %reduce_min3A_736 : vector<128xf32> to vector<1x128xf32>
    %eq3A_738 = vector.broadcast %broadcast_in_dim3A_737 : vector<1x128xf32> to vector<320x128xf32>
    %eq3A_739 = arith.cmpf oeq, %concatenate3A_161, %eq3A_738 : vector<320x128xf32>
    %jit3A_740 = arith.constant 1.000000e+30 : f32
    %broadcast_in_dim3A_741 = vector.broadcast %jit3A_740 : f32 to vector<320x128xf32>
    %select_n3A_742 = arith.select %eq3A_739, %broadcast_in_dim3A_741, %select_n3A_726 : vector<320x128xi1>, vector<320x128xf32>
    %reduce_min3A_743 = arith.constant dense<0x7F800000> : vector<128xf32>
    %reduce_min3A_744 = vector.multi_reduction <minimumf>, %select_n3A_742, %reduce_min3A_743 [0] : vector<320x128xf32> to vector<128xf32>
    %broadcast_in_dim3A_745 = vector.shape_cast %reduce_min3A_744 : vector<128xf32> to vector<1x128xf32>
    %eq3A_746 = vector.broadcast %broadcast_in_dim3A_745 : vector<1x128xf32> to vector<320x128xf32>
    %eq3A_747 = arith.cmpf oeq, %select_n3A_742, %eq3A_746 : vector<320x128xf32>
    %jit3A_748 = arith.constant 5.120000e+03 : f32
    %broadcast_in_dim3A_749 = vector.broadcast %jit3A_748 : f32 to vector<320x128xf32>
    %select_n3A_750 = arith.select %eq3A_747, %concatenate3A_161, %broadcast_in_dim3A_749 : vector<320x128xi1>, vector<320x128xf32>
    %reduce_min3A_751 = arith.constant dense<0x7F800000> : vector<128xf32>
    %reduce_min3A_752 = vector.multi_reduction <minimumf>, %select_n3A_750, %reduce_min3A_751 [0] : vector<320x128xf32> to vector<128xf32>
    %broadcast_in_dim3A_753 = vector.shape_cast %reduce_min3A_752 : vector<128xf32> to vector<1x128xf32>
    %eq3A_754 = vector.broadcast %broadcast_in_dim3A_753 : vector<1x128xf32> to vector<320x128xf32>
    %eq3A_755 = arith.cmpf oeq, %concatenate3A_161, %eq3A_754 : vector<320x128xf32>
    %jit3A_756 = arith.constant 1.000000e+30 : f32
    %broadcast_in_dim3A_757 = vector.broadcast %jit3A_756 : f32 to vector<320x128xf32>
    %select_n3A_758 = arith.select %eq3A_755, %broadcast_in_dim3A_757, %select_n3A_742 : vector<320x128xi1>, vector<320x128xf32>
    %reduce_min3A_759 = arith.constant dense<0x7F800000> : vector<128xf32>
    %reduce_min3A_760 = vector.multi_reduction <minimumf>, %select_n3A_758, %reduce_min3A_759 [0] : vector<320x128xf32> to vector<128xf32>
    %broadcast_in_dim3A_761 = vector.shape_cast %reduce_min3A_760 : vector<128xf32> to vector<1x128xf32>
    %eq3A_762 = vector.broadcast %broadcast_in_dim3A_761 : vector<1x128xf32> to vector<320x128xf32>
    %eq3A_763 = arith.cmpf oeq, %select_n3A_758, %eq3A_762 : vector<320x128xf32>
    %jit3A_764 = arith.constant 5.120000e+03 : f32
    %broadcast_in_dim3A_765 = vector.broadcast %jit3A_764 : f32 to vector<320x128xf32>
    %select_n3A_766 = arith.select %eq3A_763, %concatenate3A_161, %broadcast_in_dim3A_765 : vector<320x128xi1>, vector<320x128xf32>
    %reduce_min3A_767 = arith.constant dense<0x7F800000> : vector<128xf32>
    %reduce_min3A_768 = vector.multi_reduction <minimumf>, %select_n3A_766, %reduce_min3A_767 [0] : vector<320x128xf32> to vector<128xf32>
    %broadcast_in_dim3A_769 = vector.shape_cast %reduce_min3A_768 : vector<128xf32> to vector<1x128xf32>
    %eq3A_770 = vector.broadcast %broadcast_in_dim3A_769 : vector<1x128xf32> to vector<320x128xf32>
    %eq3A_771 = arith.cmpf oeq, %concatenate3A_161, %eq3A_770 : vector<320x128xf32>
    %jit3A_772 = arith.constant 1.000000e+30 : f32
    %broadcast_in_dim3A_773 = vector.broadcast %jit3A_772 : f32 to vector<320x128xf32>
    %select_n3A_774 = arith.select %eq3A_771, %broadcast_in_dim3A_773, %select_n3A_758 : vector<320x128xi1>, vector<320x128xf32>
    %reduce_min3A_775 = arith.constant dense<0x7F800000> : vector<128xf32>
    %reduce_min3A_776 = vector.multi_reduction <minimumf>, %select_n3A_774, %reduce_min3A_775 [0] : vector<320x128xf32> to vector<128xf32>
    %broadcast_in_dim3A_777 = vector.shape_cast %reduce_min3A_776 : vector<128xf32> to vector<1x128xf32>
    %eq3A_778 = vector.broadcast %broadcast_in_dim3A_777 : vector<1x128xf32> to vector<320x128xf32>
    %eq3A_779 = arith.cmpf oeq, %select_n3A_774, %eq3A_778 : vector<320x128xf32>
    %jit3A_780 = arith.constant 5.120000e+03 : f32
    %broadcast_in_dim3A_781 = vector.broadcast %jit3A_780 : f32 to vector<320x128xf32>
    %select_n3A_782 = arith.select %eq3A_779, %concatenate3A_161, %broadcast_in_dim3A_781 : vector<320x128xi1>, vector<320x128xf32>
    %reduce_min3A_783 = arith.constant dense<0x7F800000> : vector<128xf32>
    %reduce_min3A_784 = vector.multi_reduction <minimumf>, %select_n3A_782, %reduce_min3A_783 [0] : vector<320x128xf32> to vector<128xf32>
    %broadcast_in_dim3A_785 = vector.shape_cast %reduce_min3A_784 : vector<128xf32> to vector<1x128xf32>
    %eq3A_786 = vector.broadcast %broadcast_in_dim3A_785 : vector<1x128xf32> to vector<320x128xf32>
    %eq3A_787 = arith.cmpf oeq, %concatenate3A_161, %eq3A_786 : vector<320x128xf32>
    %jit3A_788 = arith.constant 1.000000e+30 : f32
    %broadcast_in_dim3A_789 = vector.broadcast %jit3A_788 : f32 to vector<320x128xf32>
    %select_n3A_790 = arith.select %eq3A_787, %broadcast_in_dim3A_789, %select_n3A_774 : vector<320x128xi1>, vector<320x128xf32>
    %reduce_min3A_791 = arith.constant dense<0x7F800000> : vector<128xf32>
    %reduce_min3A_792 = vector.multi_reduction <minimumf>, %select_n3A_790, %reduce_min3A_791 [0] : vector<320x128xf32> to vector<128xf32>
    %broadcast_in_dim3A_793 = vector.shape_cast %reduce_min3A_792 : vector<128xf32> to vector<1x128xf32>
    %eq3A_794 = vector.broadcast %broadcast_in_dim3A_793 : vector<1x128xf32> to vector<320x128xf32>
    %eq3A_795 = arith.cmpf oeq, %select_n3A_790, %eq3A_794 : vector<320x128xf32>
    %jit3A_796 = arith.constant 5.120000e+03 : f32
    %broadcast_in_dim3A_797 = vector.broadcast %jit3A_796 : f32 to vector<320x128xf32>
    %select_n3A_798 = arith.select %eq3A_795, %concatenate3A_161, %broadcast_in_dim3A_797 : vector<320x128xi1>, vector<320x128xf32>
    %reduce_min3A_799 = arith.constant dense<0x7F800000> : vector<128xf32>
    %reduce_min3A_800 = vector.multi_reduction <minimumf>, %select_n3A_798, %reduce_min3A_799 [0] : vector<320x128xf32> to vector<128xf32>
    %broadcast_in_dim3A_801 = vector.shape_cast %reduce_min3A_800 : vector<128xf32> to vector<1x128xf32>
    %eq3A_802 = vector.broadcast %broadcast_in_dim3A_801 : vector<1x128xf32> to vector<320x128xf32>
    %eq3A_803 = arith.cmpf oeq, %concatenate3A_161, %eq3A_802 : vector<320x128xf32>
    %jit3A_804 = arith.constant 1.000000e+30 : f32
    %broadcast_in_dim3A_805 = vector.broadcast %jit3A_804 : f32 to vector<320x128xf32>
    %select_n3A_806 = arith.select %eq3A_803, %broadcast_in_dim3A_805, %select_n3A_790 : vector<320x128xi1>, vector<320x128xf32>
    %reduce_min3A_807 = arith.constant dense<0x7F800000> : vector<128xf32>
    %reduce_min3A_808 = vector.multi_reduction <minimumf>, %select_n3A_806, %reduce_min3A_807 [0] : vector<320x128xf32> to vector<128xf32>
    %broadcast_in_dim3A_809 = vector.shape_cast %reduce_min3A_808 : vector<128xf32> to vector<1x128xf32>
    %eq3A_810 = vector.broadcast %broadcast_in_dim3A_809 : vector<1x128xf32> to vector<320x128xf32>
    %eq3A_811 = arith.cmpf oeq, %select_n3A_806, %eq3A_810 : vector<320x128xf32>
    %jit3A_812 = arith.constant 5.120000e+03 : f32
    %broadcast_in_dim3A_813 = vector.broadcast %jit3A_812 : f32 to vector<320x128xf32>
    %select_n3A_814 = arith.select %eq3A_811, %concatenate3A_161, %broadcast_in_dim3A_813 : vector<320x128xi1>, vector<320x128xf32>
    %reduce_min3A_815 = arith.constant dense<0x7F800000> : vector<128xf32>
    %reduce_min3A_816 = vector.multi_reduction <minimumf>, %select_n3A_814, %reduce_min3A_815 [0] : vector<320x128xf32> to vector<128xf32>
    %broadcast_in_dim3A_817 = vector.shape_cast %reduce_min3A_816 : vector<128xf32> to vector<1x128xf32>
    %eq3A_818 = vector.broadcast %broadcast_in_dim3A_817 : vector<1x128xf32> to vector<320x128xf32>
    %eq3A_819 = arith.cmpf oeq, %concatenate3A_161, %eq3A_818 : vector<320x128xf32>
    %jit3A_820 = arith.constant 1.000000e+30 : f32
    %broadcast_in_dim3A_821 = vector.broadcast %jit3A_820 : f32 to vector<320x128xf32>
    %select_n3A_822 = arith.select %eq3A_819, %broadcast_in_dim3A_821, %select_n3A_806 : vector<320x128xi1>, vector<320x128xf32>
    %reduce_min3A_823 = arith.constant dense<0x7F800000> : vector<128xf32>
    %reduce_min3A_824 = vector.multi_reduction <minimumf>, %select_n3A_822, %reduce_min3A_823 [0] : vector<320x128xf32> to vector<128xf32>
    %broadcast_in_dim3A_825 = vector.shape_cast %reduce_min3A_824 : vector<128xf32> to vector<1x128xf32>
    %eq3A_826 = vector.broadcast %broadcast_in_dim3A_825 : vector<1x128xf32> to vector<320x128xf32>
    %eq3A_827 = arith.cmpf oeq, %select_n3A_822, %eq3A_826 : vector<320x128xf32>
    %jit3A_828 = arith.constant 5.120000e+03 : f32
    %broadcast_in_dim3A_829 = vector.broadcast %jit3A_828 : f32 to vector<320x128xf32>
    %select_n3A_830 = arith.select %eq3A_827, %concatenate3A_161, %broadcast_in_dim3A_829 : vector<320x128xi1>, vector<320x128xf32>
    %reduce_min3A_831 = arith.constant dense<0x7F800000> : vector<128xf32>
    %reduce_min3A_832 = vector.multi_reduction <minimumf>, %select_n3A_830, %reduce_min3A_831 [0] : vector<320x128xf32> to vector<128xf32>
    %broadcast_in_dim3A_833 = vector.shape_cast %reduce_min3A_832 : vector<128xf32> to vector<1x128xf32>
    %eq3A_834 = vector.broadcast %broadcast_in_dim3A_833 : vector<1x128xf32> to vector<320x128xf32>
    %eq3A_835 = arith.cmpf oeq, %concatenate3A_161, %eq3A_834 : vector<320x128xf32>
    %jit3A_836 = arith.constant 1.000000e+30 : f32
    %broadcast_in_dim3A_837 = vector.broadcast %jit3A_836 : f32 to vector<320x128xf32>
    %select_n3A_838 = arith.select %eq3A_835, %broadcast_in_dim3A_837, %select_n3A_822 : vector<320x128xi1>, vector<320x128xf32>
    %reduce_min3A_839 = arith.constant dense<0x7F800000> : vector<128xf32>
    %reduce_min3A_840 = vector.multi_reduction <minimumf>, %select_n3A_838, %reduce_min3A_839 [0] : vector<320x128xf32> to vector<128xf32>
    %broadcast_in_dim3A_841 = vector.shape_cast %reduce_min3A_840 : vector<128xf32> to vector<1x128xf32>
    %eq3A_842 = vector.broadcast %broadcast_in_dim3A_841 : vector<1x128xf32> to vector<320x128xf32>
    %eq3A_843 = arith.cmpf oeq, %select_n3A_838, %eq3A_842 : vector<320x128xf32>
    %jit3A_844 = arith.constant 5.120000e+03 : f32
    %broadcast_in_dim3A_845 = vector.broadcast %jit3A_844 : f32 to vector<320x128xf32>
    %select_n3A_846 = arith.select %eq3A_843, %concatenate3A_161, %broadcast_in_dim3A_845 : vector<320x128xi1>, vector<320x128xf32>
    %reduce_min3A_847 = arith.constant dense<0x7F800000> : vector<128xf32>
    %reduce_min3A_848 = vector.multi_reduction <minimumf>, %select_n3A_846, %reduce_min3A_847 [0] : vector<320x128xf32> to vector<128xf32>
    %broadcast_in_dim3A_849 = vector.shape_cast %reduce_min3A_848 : vector<128xf32> to vector<1x128xf32>
    %eq3A_850 = vector.broadcast %broadcast_in_dim3A_849 : vector<1x128xf32> to vector<320x128xf32>
    %eq3A_851 = arith.cmpf oeq, %concatenate3A_161, %eq3A_850 : vector<320x128xf32>
    %jit3A_852 = arith.constant 1.000000e+30 : f32
    %broadcast_in_dim3A_853 = vector.broadcast %jit3A_852 : f32 to vector<320x128xf32>
    %select_n3A_854 = arith.select %eq3A_851, %broadcast_in_dim3A_853, %select_n3A_838 : vector<320x128xi1>, vector<320x128xf32>
    %reduce_min3A_855 = arith.constant dense<0x7F800000> : vector<128xf32>
    %reduce_min3A_856 = vector.multi_reduction <minimumf>, %select_n3A_854, %reduce_min3A_855 [0] : vector<320x128xf32> to vector<128xf32>
    %broadcast_in_dim3A_857 = vector.shape_cast %reduce_min3A_856 : vector<128xf32> to vector<1x128xf32>
    %eq3A_858 = vector.broadcast %broadcast_in_dim3A_857 : vector<1x128xf32> to vector<320x128xf32>
    %eq3A_859 = arith.cmpf oeq, %select_n3A_854, %eq3A_858 : vector<320x128xf32>
    %jit3A_860 = arith.constant 5.120000e+03 : f32
    %broadcast_in_dim3A_861 = vector.broadcast %jit3A_860 : f32 to vector<320x128xf32>
    %select_n3A_862 = arith.select %eq3A_859, %concatenate3A_161, %broadcast_in_dim3A_861 : vector<320x128xi1>, vector<320x128xf32>
    %reduce_min3A_863 = arith.constant dense<0x7F800000> : vector<128xf32>
    %reduce_min3A_864 = vector.multi_reduction <minimumf>, %select_n3A_862, %reduce_min3A_863 [0] : vector<320x128xf32> to vector<128xf32>
    %broadcast_in_dim3A_865 = vector.shape_cast %reduce_min3A_864 : vector<128xf32> to vector<1x128xf32>
    %eq3A_866 = vector.broadcast %broadcast_in_dim3A_865 : vector<1x128xf32> to vector<320x128xf32>
    %eq3A_867 = arith.cmpf oeq, %concatenate3A_161, %eq3A_866 : vector<320x128xf32>
    %jit3A_868 = arith.constant 1.000000e+30 : f32
    %broadcast_in_dim3A_869 = vector.broadcast %jit3A_868 : f32 to vector<320x128xf32>
    %select_n3A_870 = arith.select %eq3A_867, %broadcast_in_dim3A_869, %select_n3A_854 : vector<320x128xi1>, vector<320x128xf32>
    %reduce_min3A_871 = arith.constant dense<0x7F800000> : vector<128xf32>
    %reduce_min3A_872 = vector.multi_reduction <minimumf>, %select_n3A_870, %reduce_min3A_871 [0] : vector<320x128xf32> to vector<128xf32>
    %broadcast_in_dim3A_873 = vector.shape_cast %reduce_min3A_872 : vector<128xf32> to vector<1x128xf32>
    %eq3A_874 = vector.broadcast %broadcast_in_dim3A_873 : vector<1x128xf32> to vector<320x128xf32>
    %eq3A_875 = arith.cmpf oeq, %select_n3A_870, %eq3A_874 : vector<320x128xf32>
    %jit3A_876 = arith.constant 5.120000e+03 : f32
    %broadcast_in_dim3A_877 = vector.broadcast %jit3A_876 : f32 to vector<320x128xf32>
    %select_n3A_878 = arith.select %eq3A_875, %concatenate3A_161, %broadcast_in_dim3A_877 : vector<320x128xi1>, vector<320x128xf32>
    %reduce_min3A_879 = arith.constant dense<0x7F800000> : vector<128xf32>
    %reduce_min3A_880 = vector.multi_reduction <minimumf>, %select_n3A_878, %reduce_min3A_879 [0] : vector<320x128xf32> to vector<128xf32>
    %broadcast_in_dim3A_881 = vector.shape_cast %reduce_min3A_880 : vector<128xf32> to vector<1x128xf32>
    %eq3A_882 = vector.broadcast %broadcast_in_dim3A_881 : vector<1x128xf32> to vector<320x128xf32>
    %eq3A_883 = arith.cmpf oeq, %concatenate3A_161, %eq3A_882 : vector<320x128xf32>
    %jit3A_884 = arith.constant 1.000000e+30 : f32
    %broadcast_in_dim3A_885 = vector.broadcast %jit3A_884 : f32 to vector<320x128xf32>
    %select_n3A_886 = arith.select %eq3A_883, %broadcast_in_dim3A_885, %select_n3A_870 : vector<320x128xi1>, vector<320x128xf32>
    %reduce_min3A_887 = arith.constant dense<0x7F800000> : vector<128xf32>
    %reduce_min3A_888 = vector.multi_reduction <minimumf>, %select_n3A_886, %reduce_min3A_887 [0] : vector<320x128xf32> to vector<128xf32>
    %broadcast_in_dim3A_889 = vector.shape_cast %reduce_min3A_888 : vector<128xf32> to vector<1x128xf32>
    %eq3A_890 = vector.broadcast %broadcast_in_dim3A_889 : vector<1x128xf32> to vector<320x128xf32>
    %eq3A_891 = arith.cmpf oeq, %select_n3A_886, %eq3A_890 : vector<320x128xf32>
    %jit3A_892 = arith.constant 5.120000e+03 : f32
    %broadcast_in_dim3A_893 = vector.broadcast %jit3A_892 : f32 to vector<320x128xf32>
    %select_n3A_894 = arith.select %eq3A_891, %concatenate3A_161, %broadcast_in_dim3A_893 : vector<320x128xi1>, vector<320x128xf32>
    %reduce_min3A_895 = arith.constant dense<0x7F800000> : vector<128xf32>
    %reduce_min3A_896 = vector.multi_reduction <minimumf>, %select_n3A_894, %reduce_min3A_895 [0] : vector<320x128xf32> to vector<128xf32>
    %broadcast_in_dim3A_897 = vector.shape_cast %reduce_min3A_896 : vector<128xf32> to vector<1x128xf32>
    %eq3A_898 = vector.broadcast %broadcast_in_dim3A_897 : vector<1x128xf32> to vector<320x128xf32>
    %eq3A_899 = arith.cmpf oeq, %concatenate3A_161, %eq3A_898 : vector<320x128xf32>
    %jit3A_900 = arith.constant 1.000000e+30 : f32
    %broadcast_in_dim3A_901 = vector.broadcast %jit3A_900 : f32 to vector<320x128xf32>
    %select_n3A_902 = arith.select %eq3A_899, %broadcast_in_dim3A_901, %select_n3A_886 : vector<320x128xi1>, vector<320x128xf32>
    %reduce_min3A_903 = arith.constant dense<0x7F800000> : vector<128xf32>
    %reduce_min3A_904 = vector.multi_reduction <minimumf>, %select_n3A_902, %reduce_min3A_903 [0] : vector<320x128xf32> to vector<128xf32>
    %broadcast_in_dim3A_905 = vector.shape_cast %reduce_min3A_904 : vector<128xf32> to vector<1x128xf32>
    %eq3A_906 = vector.broadcast %broadcast_in_dim3A_905 : vector<1x128xf32> to vector<320x128xf32>
    %eq3A_907 = arith.cmpf oeq, %select_n3A_902, %eq3A_906 : vector<320x128xf32>
    %jit3A_908 = arith.constant 5.120000e+03 : f32
    %broadcast_in_dim3A_909 = vector.broadcast %jit3A_908 : f32 to vector<320x128xf32>
    %select_n3A_910 = arith.select %eq3A_907, %concatenate3A_161, %broadcast_in_dim3A_909 : vector<320x128xi1>, vector<320x128xf32>
    %reduce_min3A_911 = arith.constant dense<0x7F800000> : vector<128xf32>
    %reduce_min3A_912 = vector.multi_reduction <minimumf>, %select_n3A_910, %reduce_min3A_911 [0] : vector<320x128xf32> to vector<128xf32>
    %broadcast_in_dim3A_913 = vector.shape_cast %reduce_min3A_912 : vector<128xf32> to vector<1x128xf32>
    %eq3A_914 = vector.broadcast %broadcast_in_dim3A_913 : vector<1x128xf32> to vector<320x128xf32>
    %eq3A_915 = arith.cmpf oeq, %concatenate3A_161, %eq3A_914 : vector<320x128xf32>
    %jit3A_916 = arith.constant 1.000000e+30 : f32
    %broadcast_in_dim3A_917 = vector.broadcast %jit3A_916 : f32 to vector<320x128xf32>
    %select_n3A_918 = arith.select %eq3A_915, %broadcast_in_dim3A_917, %select_n3A_902 : vector<320x128xi1>, vector<320x128xf32>
    %reduce_min3A_919 = arith.constant dense<0x7F800000> : vector<128xf32>
    %reduce_min3A_920 = vector.multi_reduction <minimumf>, %select_n3A_918, %reduce_min3A_919 [0] : vector<320x128xf32> to vector<128xf32>
    %broadcast_in_dim3A_921 = vector.shape_cast %reduce_min3A_920 : vector<128xf32> to vector<1x128xf32>
    %eq3A_922 = vector.broadcast %broadcast_in_dim3A_921 : vector<1x128xf32> to vector<320x128xf32>
    %eq3A_923 = arith.cmpf oeq, %select_n3A_918, %eq3A_922 : vector<320x128xf32>
    %jit3A_924 = arith.constant 5.120000e+03 : f32
    %broadcast_in_dim3A_925 = vector.broadcast %jit3A_924 : f32 to vector<320x128xf32>
    %select_n3A_926 = arith.select %eq3A_923, %concatenate3A_161, %broadcast_in_dim3A_925 : vector<320x128xi1>, vector<320x128xf32>
    %reduce_min3A_927 = arith.constant dense<0x7F800000> : vector<128xf32>
    %reduce_min3A_928 = vector.multi_reduction <minimumf>, %select_n3A_926, %reduce_min3A_927 [0] : vector<320x128xf32> to vector<128xf32>
    %broadcast_in_dim3A_929 = vector.shape_cast %reduce_min3A_928 : vector<128xf32> to vector<1x128xf32>
    %eq3A_930 = vector.broadcast %broadcast_in_dim3A_929 : vector<1x128xf32> to vector<320x128xf32>
    %eq3A_931 = arith.cmpf oeq, %concatenate3A_161, %eq3A_930 : vector<320x128xf32>
    %jit3A_932 = arith.constant 1.000000e+30 : f32
    %broadcast_in_dim3A_933 = vector.broadcast %jit3A_932 : f32 to vector<320x128xf32>
    %select_n3A_934 = arith.select %eq3A_931, %broadcast_in_dim3A_933, %select_n3A_918 : vector<320x128xi1>, vector<320x128xf32>
    %reduce_min3A_935 = arith.constant dense<0x7F800000> : vector<128xf32>
    %reduce_min3A_936 = vector.multi_reduction <minimumf>, %select_n3A_934, %reduce_min3A_935 [0] : vector<320x128xf32> to vector<128xf32>
    %broadcast_in_dim3A_937 = vector.shape_cast %reduce_min3A_936 : vector<128xf32> to vector<1x128xf32>
    %eq3A_938 = vector.broadcast %broadcast_in_dim3A_937 : vector<1x128xf32> to vector<320x128xf32>
    %eq3A_939 = arith.cmpf oeq, %select_n3A_934, %eq3A_938 : vector<320x128xf32>
    %jit3A_940 = arith.constant 5.120000e+03 : f32
    %broadcast_in_dim3A_941 = vector.broadcast %jit3A_940 : f32 to vector<320x128xf32>
    %select_n3A_942 = arith.select %eq3A_939, %concatenate3A_161, %broadcast_in_dim3A_941 : vector<320x128xi1>, vector<320x128xf32>
    %reduce_min3A_943 = arith.constant dense<0x7F800000> : vector<128xf32>
    %reduce_min3A_944 = vector.multi_reduction <minimumf>, %select_n3A_942, %reduce_min3A_943 [0] : vector<320x128xf32> to vector<128xf32>
    %broadcast_in_dim3A_945 = vector.shape_cast %reduce_min3A_944 : vector<128xf32> to vector<1x128xf32>
    %eq3A_946 = vector.broadcast %broadcast_in_dim3A_945 : vector<1x128xf32> to vector<320x128xf32>
    %eq3A_947 = arith.cmpf oeq, %concatenate3A_161, %eq3A_946 : vector<320x128xf32>
    %jit3A_948 = arith.constant 1.000000e+30 : f32
    %broadcast_in_dim3A_949 = vector.broadcast %jit3A_948 : f32 to vector<320x128xf32>
    %select_n3A_950 = arith.select %eq3A_947, %broadcast_in_dim3A_949, %select_n3A_934 : vector<320x128xi1>, vector<320x128xf32>
    %reduce_min3A_951 = arith.constant dense<0x7F800000> : vector<128xf32>
    %reduce_min3A_952 = vector.multi_reduction <minimumf>, %select_n3A_950, %reduce_min3A_951 [0] : vector<320x128xf32> to vector<128xf32>
    %broadcast_in_dim3A_953 = vector.shape_cast %reduce_min3A_952 : vector<128xf32> to vector<1x128xf32>
    %eq3A_954 = vector.broadcast %broadcast_in_dim3A_953 : vector<1x128xf32> to vector<320x128xf32>
    %eq3A_955 = arith.cmpf oeq, %select_n3A_950, %eq3A_954 : vector<320x128xf32>
    %jit3A_956 = arith.constant 5.120000e+03 : f32
    %broadcast_in_dim3A_957 = vector.broadcast %jit3A_956 : f32 to vector<320x128xf32>
    %select_n3A_958 = arith.select %eq3A_955, %concatenate3A_161, %broadcast_in_dim3A_957 : vector<320x128xi1>, vector<320x128xf32>
    %reduce_min3A_959 = arith.constant dense<0x7F800000> : vector<128xf32>
    %reduce_min3A_960 = vector.multi_reduction <minimumf>, %select_n3A_958, %reduce_min3A_959 [0] : vector<320x128xf32> to vector<128xf32>
    %broadcast_in_dim3A_961 = vector.shape_cast %reduce_min3A_960 : vector<128xf32> to vector<1x128xf32>
    %concatenate3A_962 = tpu.concatenate %broadcast_in_dim3A_177, %broadcast_in_dim3A_193, %broadcast_in_dim3A_209, %broadcast_in_dim3A_225, %broadcast_in_dim3A_241, %broadcast_in_dim3A_257, %broadcast_in_dim3A_273, %broadcast_in_dim3A_289, %broadcast_in_dim3A_305, %broadcast_in_dim3A_321, %broadcast_in_dim3A_337, %broadcast_in_dim3A_353, %broadcast_in_dim3A_369, %broadcast_in_dim3A_385, %broadcast_in_dim3A_401, %broadcast_in_dim3A_417, %broadcast_in_dim3A_433, %broadcast_in_dim3A_449, %broadcast_in_dim3A_465, %broadcast_in_dim3A_481, %broadcast_in_dim3A_497, %broadcast_in_dim3A_513, %broadcast_in_dim3A_529, %broadcast_in_dim3A_545, %broadcast_in_dim3A_561, %broadcast_in_dim3A_577, %broadcast_in_dim3A_593, %broadcast_in_dim3A_609, %broadcast_in_dim3A_625, %broadcast_in_dim3A_641, %broadcast_in_dim3A_657, %broadcast_in_dim3A_673, %broadcast_in_dim3A_689, %broadcast_in_dim3A_705, %broadcast_in_dim3A_721, %broadcast_in_dim3A_737, %broadcast_in_dim3A_753, %broadcast_in_dim3A_769, %broadcast_in_dim3A_785, %broadcast_in_dim3A_801, %broadcast_in_dim3A_817, %broadcast_in_dim3A_833, %broadcast_in_dim3A_849, %broadcast_in_dim3A_865, %broadcast_in_dim3A_881, %broadcast_in_dim3A_897, %broadcast_in_dim3A_913, %broadcast_in_dim3A_929, %broadcast_in_dim3A_945, %broadcast_in_dim3A_961 in 0 : vector<1x128xf32>, vector<1x128xf32>, vector<1x128xf32>, vector<1x128xf32>, vector<1x128xf32>, vector<1x128xf32>, vector<1x128xf32>, vector<1x128xf32>, vector<1x128xf32>, vector<1x128xf32>, vector<1x128xf32>, vector<1x128xf32>, vector<1x128xf32>, vector<1x128xf32>, vector<1x128xf32>, vector<1x128xf32>, vector<1x128xf32>, vector<1x128xf32>, vector<1x128xf32>, vector<1x128xf32>, vector<1x128xf32>, vector<1x128xf32>, vector<1x128xf32>, vector<1x128xf32>, vector<1x128xf32>, vector<1x128xf32>, vector<1x128xf32>, vector<1x128xf32>, vector<1x128xf32>, vector<1x128xf32>, vector<1x128xf32>, vector<1x128xf32>, vector<1x128xf32>, vector<1x128xf32>, vector<1x128xf32>, vector<1x128xf32>, vector<1x128xf32>, vector<1x128xf32>, vector<1x128xf32>, vector<1x128xf32>, vector<1x128xf32>, vector<1x128xf32>, vector<1x128xf32>, vector<1x128xf32>, vector<1x128xf32>, vector<1x128xf32>, vector<1x128xf32>, vector<1x128xf32>, vector<1x128xf32>, vector<1x128xf32> -> vector<50x128xf32>
    %concatenate3A_963 = tpu.concatenate %broadcast_in_dim3A_169, %broadcast_in_dim3A_185, %broadcast_in_dim3A_201, %broadcast_in_dim3A_217, %broadcast_in_dim3A_233, %broadcast_in_dim3A_249, %broadcast_in_dim3A_265, %broadcast_in_dim3A_281, %broadcast_in_dim3A_297, %broadcast_in_dim3A_313, %broadcast_in_dim3A_329, %broadcast_in_dim3A_345, %broadcast_in_dim3A_361, %broadcast_in_dim3A_377, %broadcast_in_dim3A_393, %broadcast_in_dim3A_409, %broadcast_in_dim3A_425, %broadcast_in_dim3A_441, %broadcast_in_dim3A_457, %broadcast_in_dim3A_473, %broadcast_in_dim3A_489, %broadcast_in_dim3A_505, %broadcast_in_dim3A_521, %broadcast_in_dim3A_537, %broadcast_in_dim3A_553, %broadcast_in_dim3A_569, %broadcast_in_dim3A_585, %broadcast_in_dim3A_601, %broadcast_in_dim3A_617, %broadcast_in_dim3A_633, %broadcast_in_dim3A_649, %broadcast_in_dim3A_665, %broadcast_in_dim3A_681, %broadcast_in_dim3A_697, %broadcast_in_dim3A_713, %broadcast_in_dim3A_729, %broadcast_in_dim3A_745, %broadcast_in_dim3A_761, %broadcast_in_dim3A_777, %broadcast_in_dim3A_793, %broadcast_in_dim3A_809, %broadcast_in_dim3A_825, %broadcast_in_dim3A_841, %broadcast_in_dim3A_857, %broadcast_in_dim3A_873, %broadcast_in_dim3A_889, %broadcast_in_dim3A_905, %broadcast_in_dim3A_921, %broadcast_in_dim3A_937, %broadcast_in_dim3A_953 in 0 : vector<1x128xf32>, vector<1x128xf32>, vector<1x128xf32>, vector<1x128xf32>, vector<1x128xf32>, vector<1x128xf32>, vector<1x128xf32>, vector<1x128xf32>, vector<1x128xf32>, vector<1x128xf32>, vector<1x128xf32>, vector<1x128xf32>, vector<1x128xf32>, vector<1x128xf32>, vector<1x128xf32>, vector<1x128xf32>, vector<1x128xf32>, vector<1x128xf32>, vector<1x128xf32>, vector<1x128xf32>, vector<1x128xf32>, vector<1x128xf32>, vector<1x128xf32>, vector<1x128xf32>, vector<1x128xf32>, vector<1x128xf32>, vector<1x128xf32>, vector<1x128xf32>, vector<1x128xf32>, vector<1x128xf32>, vector<1x128xf32>, vector<1x128xf32>, vector<1x128xf32>, vector<1x128xf32>, vector<1x128xf32>, vector<1x128xf32>, vector<1x128xf32>, vector<1x128xf32>, vector<1x128xf32>, vector<1x128xf32>, vector<1x128xf32>, vector<1x128xf32>, vector<1x128xf32>, vector<1x128xf32>, vector<1x128xf32>, vector<1x128xf32>, vector<1x128xf32>, vector<1x128xf32>, vector<1x128xf32>, vector<1x128xf32> -> vector<50x128xf32>
    %slice3A_964 = vector.extract_strided_slice %concatenate3A_963 {offsets = [49, 0], sizes = [1, 128], strides = [1, 1]} : vector<50x128xf32> to vector<1x128xf32>
    %lt3A = arith.cmpf olt, %slice3A_964, %broadcast_in_dim3A_166 : vector<1x128xf32>
    %reduce_and3A = arith.constant 1.000000e+00 : f32
    %reduce_and3A_965 = arith.constant 0.000000e+00 : f32
    %reduce_and3A_966 = vector.broadcast %reduce_and3A : f32 to vector<1x128xf32>
    %reduce_and3A_967 = vector.broadcast %reduce_and3A_965 : f32 to vector<1x128xf32>
    %reduce_and3A_968 = arith.select %lt3A, %reduce_and3A_966, %reduce_and3A_967 : vector<1x128xi1>, vector<1x128xf32>
    %reduce_and3A_969 = vector.shape_cast %reduce_and3A_968 : vector<1x128xf32> to vector<1x1x128xf32>
    %reduce_and3A_970 = arith.constant dense<0x7F800000> : vector<1xf32>
    %reduce_and3A_971 = vector.multi_reduction <minimumf>, %reduce_and3A_969, %reduce_and3A_970 [1, 2] : vector<1x1x128xf32> to vector<1xf32>
    %reduce_and3A_972 = vector.shape_cast %reduce_and3A_971 : vector<1xf32> to vector<1x1x1xf32>
    %reduce_and3A_973 = vector.extract %reduce_and3A_972[0, 0, 0] : f32 from vector<1x1x1xf32>
    %reduce_and3A_974 = arith.constant 0.000000e+00 : f32
    %reduce_and3A_975 = arith.cmpf ogt, %reduce_and3A_973, %reduce_and3A_974 : f32
    %iota3A_976 = tpu.iota {dimensions = array<i32: 0>} : vector<50x128xi32>
    %convert_element_type3A_977 = arith.extui %reduce_and3A_975 : i1 to i32
    %cond3A = arith.constant 5.120000e+03 : f32
    %cond3A_978 = arith.constant 1.000000e+30 : f32
    %cond3A_979 = arith.constant 0 : i32
    %cond3A_980 = arith.cmpi ne, %convert_element_type3A_977, %cond3A_979 : i32
    %cond3A_981:2 = scf.if %cond3A_980 -> (vector<50x128xf32>, vector<50x128xf32>) {
      scf.yield %concatenate3A_962, %concatenate3A_963 : vector<50x128xf32>, vector<50x128xf32>
    } else {
      %broadcast_in_dim3A_1007 = arith.constant 0.000000e+00 : f32
      %broadcast_in_dim3A_1008 = vector.broadcast %broadcast_in_dim3A_1007 : f32 to vector<50x128xf32>
      %broadcast_in_dim3A_1009 = arith.constant 0.000000e+00 : f32
      %broadcast_in_dim3A_1010 = vector.broadcast %broadcast_in_dim3A_1009 : f32 to vector<50x128xf32>
      %scan3A = arith.constant 0 : i32
      %scan3A_1011 = arith.constant 50 : i32
      %scan3A_1012 = arith.addi %scan3A, %scan3A_1011 : i32
      %scan3A_1013 = arith.constant 1 : i32
      %scan3A_1014:3 = scf.for %scan3A_1016 = %scan3A to %scan3A_1012 step %scan3A_1013 iter_args(%scan3A_1017 = %select_n3A, %scan3A_1018 = %broadcast_in_dim3A_1008, %scan3A_1019 = %broadcast_in_dim3A_1010) -> (vector<40x128x128xf32>, vector<50x128xf32>, vector<50x128xf32>)  : i32 {
        %reduce_min3A_1020 = arith.constant dense<0x7F800000> : vector<40x128xf32>
        %reduce_min3A_1021 = vector.multi_reduction <minimumf>, %scan3A_1017, %reduce_min3A_1020 [1] : vector<40x128x128xf32> to vector<40x128xf32>
        %reduce_min3A_1022 = arith.constant dense<0x7F800000> : vector<128xf32>
        %reduce_min3A_1023 = vector.multi_reduction <minimumf>, %reduce_min3A_1021, %reduce_min3A_1022 [0] : vector<40x128xf32> to vector<128xf32>
        %broadcast_in_dim3A_1024 = vector.shape_cast %reduce_min3A_1023 : vector<128xf32> to vector<1x128xf32>
        %broadcast_in_dim3A_1025 = vector.shape_cast %broadcast_in_dim3A_1024 : vector<1x128xf32> to vector<1x1x128xf32>
        %eq3A_1026 = vector.broadcast %broadcast_in_dim3A_1025 : vector<1x1x128xf32> to vector<40x128x128xf32>
        %eq3A_1027 = arith.cmpf oeq, %scan3A_1017, %eq3A_1026 : vector<40x128x128xf32>
        %broadcast_in_dim3A_1028 = vector.broadcast %cond3A : f32 to vector<40x128x128xf32>
        %select_n3A_1029 = arith.select %eq3A_1027, %convert_element_type3A, %broadcast_in_dim3A_1028 : vector<40x128x128xi1>, vector<40x128x128xf32>
        %reduce_min3A_1030 = arith.constant dense<0x7F800000> : vector<40x128xf32>
        %reduce_min3A_1031 = vector.multi_reduction <minimumf>, %select_n3A_1029, %reduce_min3A_1030 [1] : vector<40x128x128xf32> to vector<40x128xf32>
        %reduce_min3A_1032 = arith.constant dense<0x7F800000> : vector<128xf32>
        %reduce_min3A_1033 = vector.multi_reduction <minimumf>, %reduce_min3A_1031, %reduce_min3A_1032 [0] : vector<40x128xf32> to vector<128xf32>
        %broadcast_in_dim3A_1034 = vector.shape_cast %reduce_min3A_1033 : vector<128xf32> to vector<1x128xf32>
        %eq3A_1035 = vector.broadcast %scan3A_1016 : i32 to vector<50x128xi32>
        %eq3A_1036 = arith.cmpi eq, %iota3A_976, %eq3A_1035 : vector<50x128xi32>
        %broadcast_in_dim3A_1037 = vector.shape_cast %broadcast_in_dim3A_1034 : vector<1x128xf32> to vector<1x128xf32>
        %broadcast_in_dim3A_1038 = vector.broadcast %broadcast_in_dim3A_1037 : vector<1x128xf32> to vector<50x128xf32>
        %select_n3A_1039 = arith.select %eq3A_1036, %broadcast_in_dim3A_1038, %scan3A_1018 : vector<50x128xi1>, vector<50x128xf32>
        %eq3A_1040 = vector.broadcast %scan3A_1016 : i32 to vector<50x128xi32>
        %eq3A_1041 = arith.cmpi eq, %iota3A_976, %eq3A_1040 : vector<50x128xi32>
        %broadcast_in_dim3A_1042 = vector.shape_cast %broadcast_in_dim3A_1024 : vector<1x128xf32> to vector<1x128xf32>
        %broadcast_in_dim3A_1043 = vector.broadcast %broadcast_in_dim3A_1042 : vector<1x128xf32> to vector<50x128xf32>
        %select_n3A_1044 = arith.select %eq3A_1041, %broadcast_in_dim3A_1043, %scan3A_1019 : vector<50x128xi1>, vector<50x128xf32>
        %broadcast_in_dim3A_1045 = vector.shape_cast %broadcast_in_dim3A_1034 : vector<1x128xf32> to vector<1x1x128xf32>
        %eq3A_1046 = vector.broadcast %broadcast_in_dim3A_1045 : vector<1x1x128xf32> to vector<40x128x128xf32>
        %eq3A_1047 = arith.cmpf oeq, %convert_element_type3A, %eq3A_1046 : vector<40x128x128xf32>
        %broadcast_in_dim3A_1048 = vector.broadcast %cond3A_978 : f32 to vector<40x128x128xf32>
        %select_n3A_1049 = arith.select %eq3A_1047, %broadcast_in_dim3A_1048, %scan3A_1017 : vector<40x128x128xi1>, vector<40x128x128xf32>
        scf.yield %select_n3A_1049, %select_n3A_1039, %select_n3A_1044 : vector<40x128x128xf32>, vector<50x128xf32>, vector<50x128xf32>
      }
      %scan3A_1015 = arith.constant 50 : i32
      scf.yield %scan3A_1014#1, %scan3A_1014#2 : vector<50x128xf32>, vector<50x128xf32>
    }
    %convert_element_type3A_982 = arith.fptosi %cond3A_981#0 : vector<50x128xf32> to vector<50x128xi32>
    %swap3A = arith.constant 0 : index
    %swap3A_983 = arith.constant 0 : index
    %swap3A_984 = vector.load %arg3[%swap3A, %swap3A_983] : memref<50x128xi32, #tpu.memory_space<vmem>>, vector<50x128xi32>
    tpu.vector_store %arg3[%swap3A, %swap3A_983], %convert_element_type3A_982 {strides = array<i32>} : memref<50x128xi32, #tpu.memory_space<vmem>>, vector<50x128xi32>,
    %max3A = arith.constant 0.000000e+00 : f32
    %max3A_985 = vector.broadcast %max3A : f32 to vector<50x128xf32>
    %max3A_986 = arith.maximumf %cond3A_981#1, %max3A_985 : vector<50x128xf32>
    %add3A_987 = arith.constant 9.99999996E-13 : f32
    %add3A_988 = vector.broadcast %add3A_987 : f32 to vector<50x128xf32>
    %add3A_989 = arith.addf %max3A_986, %add3A_988 : vector<50x128xf32>
    %sqrt3A = math.sqrt %add3A_989 : vector<50x128xf32>
    %iota3A_990 = tpu.iota {dimensions = array<i32: 1>} : vector<1x5x1xi32>
    %convert_element_type3A_991 = arith.sitofp %iota3A_990 : vector<1x5x1xi32> to vector<1x5x1xf32>
    %mul3A_992 = arith.constant 2.500000e+00 : f32
    %mul3A_993 = vector.broadcast %mul3A_992 : f32 to vector<1x5x1xf32>
    %mul3A_994 = arith.mulf %convert_element_type3A_991, %mul3A_993 : vector<1x5x1xf32>
    %broadcast_in_dim3A_995 = vector.shape_cast %sqrt3A : vector<50x128xf32> to vector<50x1x128xf32>
    %sub3A_996 = vector.broadcast %broadcast_in_dim3A_995 : vector<50x1x128xf32> to vector<50x5x128xf32>
    %sub3A_997 = vector.broadcast %mul3A_994 : vector<1x5x1xf32> to vector<50x5x128xf32>
    %sub3A_998 = arith.subf %sub3A_996, %sub3A_997 : vector<50x5x128xf32>
    %integer_pow3A = arith.mulf %sub3A_998, %sub3A_998 : vector<50x5x128xf32>
    %neg3A = arith.constant 0.000000e+00 : f32
    %neg3A_999 = vector.broadcast %neg3A : f32 to vector<50x5x128xf32>
    %neg3A_1000 = arith.subf %neg3A_999, %integer_pow3A : vector<50x5x128xf32>
    %div3A = arith.constant 1.250000e+01 : f32
    %div3A_1001 = vector.broadcast %div3A : f32 to vector<50x5x128xf32>
    %div3A_1002 = arith.divf %neg3A_1000, %div3A_1001 : vector<50x5x128xf32>
    %exp3A = math.exp %div3A_1002 : vector<50x5x128xf32>
    %swap3A_1003 = arith.constant 0 : index
    %swap3A_1004 = arith.constant 0 : index
    %swap3A_1005 = arith.constant 0 : index
    %swap3A_1006 = vector.load %arg4[%swap3A_1003, %swap3A_1004, %swap3A_1005] : memref<50x5x128xf32, #tpu.memory_space<vmem>>, vector<50x5x128xf32>
    tpu.vector_store %arg4[%swap3A_1003, %swap3A_1004, %swap3A_1005], %exp3A {strides = array<i32>} : memref<50x5x128xf32, #tpu.memory_space<vmem>>, vector<50x5x128xf32>,
    return
  }
  func.func @transform_0(%arg0: i32) -> (i32, i32) {
    %c0_i32 = arith.constant 0 : i32
    %c0_i32_0 = arith.constant 0 : i32
    %c0_i32_1 = arith.constant 0 : i32
    return %c0_i32, %c0_i32_0 : i32, i32
  }
  func.func @transform_1(%arg0: i32) -> (i32, i32) {
    %c0_i32 = arith.constant 0 : i32
    %c0_i32_0 = arith.constant 0 : i32
    return %c0_i32, %arg0 : i32, i32
  }
  func.func @transform_2(%arg0: i32) -> (i32, i32) {
    %c0_i32 = arith.constant 0 : i32
    %c0_i32_0 = arith.constant 0 : i32
    return %c0_i32, %arg0 : i32, i32
  }
  func.func @transform_3(%arg0: i32) -> (i32, i32, i32) {
    %c0_i32 = arith.constant 0 : i32
    %c0_i32_0 = arith.constant 0 : i32
    %c0_i32_1 = arith.constant 0 : i32
    return %c0_i32, %c0_i32_0, %arg0 : i32, i32, i32
  }
}

</mosaic_0001>

<sc_bundles>
// kernel: gather_offload_async_start
scs
__scs_entry_jumppad:
0x0: {  	(pc) =	sbr.rel $0x88, $3  }
0x1: {  	(tag) =	ssettag $0x0;
	lr =	simm.s32 $0x1  }
0x2: {  	[smem:$0x3F9F] =	sst lr;
	_ =	strace $0xD0000000  }
0x3: {  	_ = 	snop  }
0x4: {  	_ = 	snop  }
0x5: {  	_ = 	snop  }
0x6: {  	_ = 	snop  }
0x7: {  	_ = 	snop  }
__scs_overlays_trampoline_lowered:
0x8: {  	[smem:$0x3FAE] =	sst s0  }
0x9: {  	[smem:$0x3FAF] =	sst s1  }
0xa: {  	[smem:$0x3FB0] =	sst s2  }
0xb: {  	[smem:$0x3FB1] =	sst s3  }
0xc: {  	[smem:$0x3FB2] =	sst s4  }
0xd: {  	[smem:$0x3FB3] =	sst s5  }
0xe: {  	[smem:$0x3FB4] =	sst s6  }
0xf: {  	[smem:$0x3FB5] =	sst s7  }
0x10: {  	[smem:$0x3FB6] =	sst s8  }
0x11: {  	[smem:$0x3FB7] =	sst s9;
	s0 =	simm.s32 @!p0 $0x0  }
0x12: {  	s1 =	sld [smem:$0x3F9D];
	s0 =	simm.s32 @p0 $0x1  }
0x13: {  	[smem:$0x3FB8] =	sst s0;
	s0 =	simm.s32 @!p1 $0x0  }
0x14: {  	s2 =	sld [smem:$0x3F9C];
	s0 =	simm.s32 @p1 $0x1  }
0x15: {  	[smem:$0x3FB9] =	sst s0;
	s0 =	simm.s32 @!p2 $0x0  }
0x16: {  	s3 =	sld [smem:$0x3FDB];
	s0 =	simm.s32 @p2 $0x1  }
0x17: {  	s4 =	simm.s32 $0x1BF5;
	[smem:$0x3FBB] =	sst s0  }
0x18: {  	s0 =	sld [smem:$0x3F9E];
	_ =	swait.ge [sflag:s4], $0x0  }
0x19: {  	s7 =	sld [smem:$0x3F9F]  }
0x1a: {  	s8 =	sadd.s32 $0xFFFFE003, lr  }
0x1b: {  	s9 =	sadd.s32 $0xFFFFFEF7, lr;
	s5 =	simm.s32 $0xFFFFFFFF;
	p2 =	slt.u32 s8, $0xFFFFF086  }
0x1c: {  	p1 =	slt.u32 s9, $0xF7A;
	s5 =	simm.s32 @!p2 $0x0  }
0x1d: {  	s5 =	simm.s32 @p1 $0x1;
	p0 =	seq.s32 s7, s2  }
0x1e: {  	s7 =	smul.u32 @!p0 $0xF7A, s2;
	p2 =	seq.s32 @!p0 s5, $0x0  }
0x1f: {  	s9 =	smul.u32 $0xF7A, s1;
	s8 =	simm.s32 @!p0 $0x1BF5;
	p2 =	por !p2, p0  }
0x20: {  	[sflag:s8] =	ssyncset.s32 @!p0 $0xFFFFF086;
	s6 =	sadd.s32 @!p0 s3, s7;
	s7 =	simm.s32 @!p0 $0x108  }
0x21: {  	s3 =	sadd.s32 s3, s9;
	s6 =	sadd.s32 @!p0 $0x88, s6;
	s7 =	simm.s32 @p2 $0x1082  }
0x22: {  	[simem:s7], [sflag:s8] =	dma.local @!p0 [hbm:s6], $0xF7A  }
0x23: {  	s9 =	sor.u32 $0xD0000000, s2;
	s6 =	simm.s32 $0x108;
	_ =	swait.ge @!p0 [sflag:s8], $0x0  }
0x24: {  	s3 =	sadd.s32 $0x88, s3;
	s6 =	simm.s32 @!p1 $0x1082;
	[sflag:s4] =	ssyncset.s32 $0xFFFFF086  }
0x25: {  	[simem:s6], [sflag:s4] =	dma.local [hbm:s3], $0xF7A  }
0x26: {  	[smem:$0x3F9F] =	sst s1;
	(tag) =	ssettag s2;
	_ =	strace s9  }
0x27: {  	s1 =	sld [smem:$0x3FAF]  }
0x28: {  	s2 =	sld [smem:$0x3FB0]  }
0x29: {  	s4 =	sld [smem:$0x3FB2]  }
0x2a: {  	p0 =	seq.s32 s5, $0x0;
	s5 =	sld [smem:$0x3FB3]  }
0x2b: {  	s6 =	sld [smem:$0x3FB4]  }
0x2c: {  	s7 =	sld [smem:$0x3FB5]  }
0x2d: {  	s3 =	simm.s32 $0x108;
	s8 =	sld [smem:$0x3FB6]  }
0x2e: {  	s3 =	simm.s32 @!p0 $0x1082;
	s9 =	sld [smem:$0x3FB7]  }
0x2f: {  	lr =	sadd.s32 s0, s3;
	s0 =	sld [smem:$0x3FAE]  }
0x30: {  	s3 =	sld [smem:$0x3FB1]  }
0x31: {  	[smem:$0x3FBA] =	sst s10  }
0x32: {  	s10 =	sld [smem:$0x3FB8];
	_ =	sdelay $0x3  }
0x33: {  	p0 =	seq.s32 s10, $0x1;
	s10 =	sld [smem:$0x3FBA];
	_ =	sdelay $0x3  }
0x34: {  	[smem:$0x3FBA] =	sst s10  }
0x35: {  	s10 =	sld [smem:$0x3FB9];
	_ =	sdelay $0x3  }
0x36: {  	p1 =	seq.s32 s10, $0x1;
	s10 =	sld [smem:$0x3FBA];
	_ =	sdelay $0x3  }
0x37: {  	[smem:$0x3FBA] =	sst s10  }
0x38: {  	s10 =	sld [smem:$0x3FBB]  }
0x39: {  	_ = 	snop;
	(pc) =	sbr.ind lr, $3  }
0x3a: {  	_ = 	snop  }
0x3b: {  	_ = 	snop  }
0x3c: {  	p2 =	seq.s32 s10, $0x1;
	s10 =	sld [smem:$0x3FBA]  }
0x3d: {  	_ =	shalt  }
0x3e: {  	_ =	shalt  }
0x3f: {  	_ =	shalt  }
0x40: {  	_ =	shalt  }
0x41: {  	_ =	shalt  }
0x42: {  	_ =	shalt  }
0x43: {  	_ =	shalt  }
0x44: {  	_ =	shalt  }
0x45: {  	_ =	shalt  }
0x46: {  	_ =	shalt  }
0x47: {  	_ =	shalt  }
0x48: {  	_ =	shalt  }
0x49: {  	_ =	shalt  }
0x4a: {  	_ =	shalt  }
0x4b: {  	_ =	shalt  }
0x4c: {  	_ =	shalt  }
0x4d: {  	_ =	shalt  }
0x4e: {  	_ =	shalt  }
0x4f: {  	_ =	shalt  }
0x50: {  	_ =	shalt  }
0x51: {  	_ =	shalt  }
0x52: {  	_ =	shalt  }
0x53: {  	_ =	shalt  }
0x54: {  	_ =	shalt  }
0x55: {  	_ =	shalt  }
0x56: {  	_ =	shalt  }
0x57: {  	_ =	shalt  }
0x58: {  	_ =	shalt  }
0x59: {  	_ =	shalt  }
0x5a: {  	_ =	shalt  }
0x5b: {  	_ =	shalt  }
0x5c: {  	_ =	shalt  }
0x5d: {  	_ =	shalt  }
0x5e: {  	_ =	shalt  }
0x5f: {  	_ =	shalt  }
0x60: {  	_ =	shalt  }
0x61: {  	_ =	shalt  }
0x62: {  	_ =	shalt  }
0x63: {  	_ =	shalt  }
0x64: {  	_ =	shalt  }
0x65: {  	_ =	shalt  }
0x66: {  	_ =	shalt  }
0x67: {  	_ =	shalt  }
0x68: {  	_ =	shalt  }
0x69: {  	_ =	shalt  }
0x6a: {  	_ =	shalt  }
0x6b: {  	_ =	shalt  }
0x6c: {  	_ =	shalt  }
0x6d: {  	_ =	shalt  }
0x6e: {  	_ =	shalt  }
0x6f: {  	_ =	shalt  }
0x70: {  	_ =	shalt  }
0x71: {  	_ =	shalt  }
0x72: {  	_ =	shalt  }
0x73: {  	_ =	shalt  }
0x74: {  	_ =	shalt  }
0x75: {  	_ =	shalt  }
0x76: {  	_ =	shalt  }
0x77: {  	_ =	shalt  }
0x78: {  	_ =	shalt  }
0x79: {  	_ =	shalt  }
0x7a: {  	_ =	shalt  }
0x7b: {  	_ =	shalt  }
0x7c: {  	_ =	shalt  }
0x7d: {  	_ =	shalt  }
0x7e: {  	_ =	shalt  }
0x7f: {  	_ =	shalt  }
0x80: {  	_ =	shalt  }
0x81: {  	_ =	shalt  }
0x82: {  	_ =	shalt  }
0x83: {  	_ =	shalt  }
0x84: {  	_ =	shalt  }
0x85: {  	_ =	shalt  }
0x86: {  	_ =	shalt  }
0x87: {  	_ =	shalt  }
.Lfunc_end0:
.L_simem_size_0:
called_computation_lowered:
.L_overlay_start_0:
0x88: {  	s0 =	sld [smem:$0x3FD9]  }
0x89: {  	s1 =	sld [smem:$0x3FFE];
	_ =	sdelay $0x3  }
0x8a: {  	s0 =	sadd.s32 s1, s0  }
0x8b: {  	[smem:$0x3FC6] =	sst s0  }
0x8c: {  	_ = 	snop  }
0x8d: {  	s0 =	sld [smem:$0x3FD0];
	_ =	sdelay $0x2  }
0x8e: {  	s14 =	simm.s32 $0xA;
	s2 =	simm.s32 $0x10  }
0x8f: {  	[smem:s2], [sflag:s14] =	dma.local [hbm:s0], $0x1  }
0x90: {  	_ =	swait.eq [sflag:s14], $0x1  }
0x91: {  	s15 =	sld [smem:$0x10];
	[sflag:s14] =	ssyncset.done $0x0  }
0x92: {  	s16 =	sld [smem:$0x11];
	[sflag:s14] =	ssyncadd.s32 $0xFFFFFFFF  }
0x93: {  	s17 =	sld [smem:$0x12];
	(tm) =	ssettm $0x1  }
0x94: {  	s3 =	sld [smem:$0x3FFB];
	_ =	sdelay $0x3  }
0x95: {  	_ =	strace s3  }
0x96: {  	s3 =	sld [smem:$0x3FFC];
	_ =	sdelay $0x3  }
0x97: {  	_ =	strace s3  }
0x98: {  	s3 =	sld [smem:$0x3FFD];
	_ =	sdelay $0x3  }
0x99: {  	_ =	strace s3  }
0x9a: {  	_ =	strace $0x8FFFFFFF  }
0x9b: {  	s18 =	sld [smem:$0x3FDB];
	_ =	sdelay $0x1  }
0x9c: {  	s4 =	simm.s32 $_scs_section_size  }
0x9d: {  	s5 =	simm.s32 $_size__tile_overlayer_lowered;
	s6 =	simm.s32 $_tile_overlayer_lowered  }
0x9e: {  	s21 =	simm.s32 $0x1BFF;
	s20 =	sshll.u32 s6, $0x1;
	s3 =	sadd.s32 s4, s18  }
0x9f: {  	s7 =	simm.s32 $0x0;
	s19 =	sshll.u32 s5, $0x1;
	s5 =	sadd.s32 s20, s3  }
0xa0: {  	[timem:s7], [sflag:s21] =	dma.local [hbm:s5], s19  }
0xa1: {  	_ =	swait.ge [sflag:s21], s19  }
0xa2: {  	s4 =	ssub.s32 $0x0, s19;
	[sflag:s21] =	ssyncset.done $0x0  }
0xa3: {  	[sflag:s21] =	ssyncadd.s32 s4;
	_ =	sdelay $0x1  }
0xa4: {  	s22 =	simm.s32 $0x1B8B  }
0xa5: {  	_ =	swait.ge [sflag:s22], $0x1  }
0xa6: {  	[sflag:s22] =	ssyncset.done $0x0  }
0xa7: {  	s23 =	simm.s32 $0x1B8E;
	[sflag:s22] =	ssyncadd.s32 $0xFFFFFFFF  }
0xa8: {  	s24 =	simm.s32 $execute0_lowered;
	[smem:$0x3FD2] =	sst s23  }
0xa9: {  	s4 =	sshll.u32 s24, $0x1;
	_ =	strace $0x80000046;
	[dreg:$0x1] =	wrdreg $0xFFFFFFFF  }
0xaa: {  	s25 =	simm.s32 $_size_execute0_lowered;
	s3 =	sadd.s32 s3, s4;
	[dreg:$0x0] =	wrdreg $0x0  }
0xab: {  	s4 =	sshll.u32 s25, $0x1;
	[dreg:$0x2] =	wrdreg s3  }
0xac: {  	[dreg:$0x3] =	wrdreg s4  }
0xad: {  	[dreg:$0x4] =	wrdreg $0xC0  }
0xae: {  	_ =	task [dreg:s7], $0x5FFFF  }
0xaf: {  	[dreg:$0x1] =	wrdreg $0xFFFFFFFF  }
0xb0: {  	[dreg:$0x0] =	wrdreg $0x60  }
0xb1: {  	[dreg:$0x2] =	wrdreg s17  }
0xb2: {  	[dreg:$0x3] =	wrdreg s15  }
0xb3: {  	[dreg:$0x4] =	wrdreg s16  }
0xb4: {  	[dreg:$0x5] =	wrdreg $0x9  }
0xb5: {  	_ =	task.clear_ibuf [dreg:s7], $0x6FFFF;
	_ =	strace $0x90000046  }
0xb6: {  	s26 =	simm.s32 $0x9;
	_ =	strace $0x80000048  }
0xb7: {  	_ =	swait.ge [sflag:s26], $0x1  }
0xb8: {  	[sflag:s26] =	ssyncadd.s32 $0xFFFFFFFF  }
0xb9: {  	_ =	strace $0x90000048  }
0xba: {  	_ =	sfence  }
0xbb: {  	s28 =	sld [smem:$0x0];
	_ =	sdelay $0x1  }
0xbc: {  	s29 =	srdreg.scid  }
0xbd: {  	s30 =	sshll.u32 s29, $0xD;
	s31 =	sshrl.u32 s29, $0x2  }
0xbe: {  	s1 =	sand.u32 $0x1, s29;
	s2 =	sand.u32 $0x4000, s30;
	s0 =	sadd.s32 s31, s28  }
0xbf: {  	s1 =	sor.u32 s2, s1;
	s0 =	sshll.u32 s0, $0x11  }
0xc0: {  	s0 =	sor.u32 s0, s1  }
0xc1: {  	s0 =	sadd.s32 $0x8F2B, s0  }
0xc2: {  	[sflag:s0] =	ssyncadd.remote.s32 $0x1  }
0xc3: {  	_ =	sfence.sel $0xFFFF  }
0xc4: {  	[dreg:$0x0] =	wrdreg $0xFFFFFFFF;
	(pc) =	sbr.abs _section_cstart, $3  }
0xc5: {  	[dreg:$0x1] =	wrdreg $0xFFFFFFFF  }
0xc6: {  	_ =	task.clear_ibuf [dreg:s7], $0x2FFFF;
	_ =	strace $0x9FFFFFFF  }
0xc7: {  	(tm) =	ssettm $0x7FFFFFFF  }
tec
execute0_lowered:
.L_overlay_start_1:
0x0: {  	(tag) =	ssettag $0x1  }
0x1: {  	s0 =	stileid.u32  }
0x2: {  	s1 =	smin.u32 s0, $0x9  }
0x3: {  	s1 =	sadd.s32 s0, s1  }
0x4: {  	s2 =	simm.s32 $0x190;
	p0 =	slt.u32 s0, $0x9;
	s1 =	smul.u32 $0xC8, s1  }
0x5: {  	s2 =	simm.s32 @!p0 $0xC8  }
0x6: {  	s2 =	sadd.s32 s2, s1  }
0x7: {  	s3 =	smin.u32 s2, $0x1388  }
0x8: {  	s8 =	ssub.s32 s3, s1  }
0x9: {  	p0 =	sgt.s32 s8, $0x0  }
0xa: {  	s8 =	simm.s32 @!p0 $0x0  }
0xb: {  	s31 =	sand.u32 $0xFFF8, s8  }
0xc: {  	s2 =	sshrl.u32 s31, $0x3  }
0xd: {  	s4 =	rddreg [dreg:$0x0];
	s2 =	smul.u32 $0x147B, s2  }
0xe: {  	s5 =	rddreg [dreg:$0x1]  }
0xf: {  	s6 =	rddreg [dreg:$0x2];
	s7 =	simm.s32 $0x1;
	s9 =	sshrl.u32 s2, $0x11  }
0x10: {  	s11 =	simm.s32 $0x3;
	s13 =	simm.s32 $0x0;
	s10 =	smul.u32 $0xC8, s9  }
.Ltmp0:
0x11: {  	s12 =	simm.s32 $0x0;
	s2 =	rddreg [dreg:$0x3];
	(pc) =	sbr.rel .LBB2_1-.Ltmp0, $4  }
0x12: {  	_ =	strace $0x80000047;
	p0 =	sne.s32 s8, s10;
	s10 =	simm.s32 $0x1  }
0x13: {  	[sflag:s7] =	ssyncpa.u1 $0x0;
	s8 =	simm.s32 $0x2;
	s10 =	simm.s32 @!p0 $0x0  }
0x14: {  	[sflag:s8] =	ssyncpa.u1 $0x0;
	p0 =	por $0x0, $0x0;
	s9 =	sadd.s32 s9, s10  }
0x15: {  	vm0 =	vmmov $0xff;
	vm1 =	vcmask $0x3F20;
	[sflag:s11] =	ssyncpa.u1 $0x0;
	s11 =	smov.u32 s1;
	s10 =	sadd.s32 $0x1, s9  }
.LBB2_6:
0x16: {  	[hbm:s17] =	stream.linear.scatter [tilespmem:s14], [sflag:$0x3], $0x400, $0x38;
	[tilespmem:$0xC990] =	vst v63  }
.LBB2_7:
0x17: {  	s13 =	sadd.s32 $0xC8, s11  }
0x18: {  	s15 =	smov.u32 s1;
	p2 =	slt.s32 s13, s3  }
0x19: {  	s15 =	smov.u32 @p2 s13;
	p2 =	sne.s32 s12, s10  }
.Ltmp1:
0x1a: {  	p1 =	slt.u32 s12, $0x2;
	(pc) =	sbr.rel @!p2 .LBB2_8-.Ltmp1, $4  }
0x1b: {  	s14 =	simm.s32 @!p1 $0x3  }
0x1c: {  	s16 =	sadd.s32 $0x1, s12;
	_ =	swait.ge @!p1 [sflag:s14], $0x6400  }
0x1d: {  	p0 =	por !p0, !p0;
	s13 =	smov.u32 s11;
	[sflag:s14] =	ssyncset.done @!p1 $0x0  }
0x1e: {  	s12 =	smov.u32 s16;
	s11 =	smov.u32 s15;
	[sflag:s14] =	ssyncadd.s32 @!p1 $0xFFFF9C00  }
.LBB2_1:
0x1f: {  	p1 =	sge.u32 s12, s9  }
0x20: {  	s14 =	sxor.u32 @!p1 $0xFFFFFFFF, s12  }
0x21: {  	s14 =	sand.u32 @!p1 $0x1, s14  }
0x22: {  	s14 =	smul.u32 @!p1 $0x320, s14  }
0x23: {  	s31 =	sadd.s32 $0xFFFFFFFF, s12;
	s15 =	sshrl.u32 @!p1 s11, $0x3  }
0x24: {  	s16 =	sand.u32 @!p1 $0x7, s11;
	s15 =	sadd.s32 @!p1 s5, s15;
	s14 =	sshrl.u32 @!p1 s14, $0x2  }
0x25: {  	[tilespmem:s14], [sflag:$0x2] =	stream.linear.gather @!p1 [hbm4b:s15+s16], $0xC8, $0x38;
	[tilespmem:$0xC990] =	vst v63  }
0x26: {  	p1 =	sge.u32 s31, s9  }
.Ltmp2:
0x27: {  	_ = 	snop;
	(pc) =	sbr.rel @p1 .LBB2_7-.Ltmp2, $1  }
0x28: {  	_ =	sdelay $0x3  }
0x29: {  	s14 =	simm.s32 $0x1  }
0x2a: {  	s14 =	simm.s32 @!p0 $0x0  }
0x2b: {  	s15 =	smul.u32 $0x320, s14  }
0x2c: {  	_ =	swait.ge [sflag:s8], $0xC8  }
0x2d: {  	[sflag:s8] =	ssyncset.done $0x0;
	s16 =	sshrl.u32 s15, $0x2  }
0x2e: {  	[sflag:s8] =	ssyncadd.s32 $0xFFFFFF38;
	s15 =	sadd.s32 $0x0, s16  }
0x2f: {  	v0 =	vld.msk [tilespmem:s15+$0x0 ss:$0x1], $0xffff;
	_ =	sdelay $0x4  }
0x30: {  	vm2 =	vgt.s32 v0, $0x0  }
0x31: {  	v0 =	vnsel vm2, $0x0, v0  }
0x32: {  	v0 =	vmin.u32 v0, $0x270F  }
0x33: {  	v0 =	vshll.u32 v0, $0x4  }
0x34: {  	s14 =	smul.u32 $0x19000, s14  }
0x35: {  	s31 =	sand.u32 $0x1, s12  }
0x36: {  	s17 =	smul.u32 $0x320, s31;
	s14 =	sshrl.u32 s14, $0x2  }
0x37: {  	s19 =	smul.u32 $0x19000, s31;
	s14 =	sor.u32 $0x190, s14  }
0x38: {  	[tilespmem:s14], [sflag:$0x1] =	stream.indirect_vreg.gather [hbm:s4], $0x80, v0, vm0, $0x38;
	[tilespmem:$0xC990] =	vst v63  }
0x39: {  	s18 =	sshrl.u32 s17, $0x2;
	s20 =	sadd.s32 $0x10, s16;
	s15 =	sadd.s32 $0x400, s14  }
0x3a: {  	[tilespmem:s15], [sflag:$0x1] =	stream.indirect_vreg.gather [hbm:s4], $0x80, v0, vm1, $0x38;
	[tilespmem:$0xC990] =	vst v63  }
0x3b: {  	s17 =	sshrl.u32 s19, $0x2;
	s19 =	smov.u32 s14;
	v0 =	vld.msk [tilespmem:s20+$0x0 ss:$0x1], $0xffff;
	s20 =	simm.s32 $0x80  }
.LBB2_3:
0x3c: {  	p1 =	sne.s32 s20, $0x2C0;
	_ =	sdelay $0x4  }
0x3d: {  	vm2 =	vgt.s32 v0, $0x0  }
0x3e: {  	v0 =	vnsel vm2, $0x0, v0  }
0x3f: {  	v0 =	vmin.u32 v0, $0x270F  }
0x40: {  	v0 =	vshll.u32 v0, $0x4;
	_ =	sdelay $0x3  }
.Ltmp3:
0x41: {  	s21 =	sshra.s32 s20, $0x2;
	s19 =	sadd.s32 $0x800, s19;
	(pc) =	sbr.rel @p1 .LBB2_3-.Ltmp3, $4  }
0x42: {  	[tilespmem:s19], [sflag:$0x1] =	stream.indirect_vreg.gather [hbm:s4], $0x80, v0, vm0, $0x38;
	[tilespmem:$0xC990] =	vst v63  }
0x43: {  	s21 =	sadd.s32 s21, s16;
	s22 =	sadd.s32 $0x400, s19  }
0x44: {  	[tilespmem:s22], [sflag:$0x1] =	stream.indirect_vreg.gather [hbm:s4], $0x80, v0, vm1, $0x38;
	[tilespmem:$0xC990] =	vst v63  }
0x45: {  	s20 =	sadd.s32 $0x40, s20;
	v0 =	vld.msk [tilespmem:s21+$0x0 ss:$0x1], $0xffff  }
0x46: {  	_ =	sdelay $0x3  }
0x47: {  	vm2 =	vgt.s32 v0, $0x0  }
0x48: {  	v0 =	vnsel vm2, $0x0, v0  }
0x49: {  	v0 =	vmin.u32 v0, $0x270F  }
0x4a: {  	v0 =	vshll.u32 v0, $0x4;
	_ =	sdelay $0x3  }
0x4b: {  	s16 =	sadd.s32 $0x800, s19  }
0x4c: {  	[tilespmem:s16], [sflag:$0x1] =	stream.indirect_vreg.gather [hbm:s4], $0x80, v0, vm0, $0x38;
	[tilespmem:$0xC990] =	vst v63  }
0x4d: {  	s16 =	sadd.s32 $0x400, s16  }
0x4e: {  	[tilespmem:s16], [sflag:$0x1] =	stream.indirect_vreg.gather [hbm:s4], $0x80, v0, vm1, $0x38;
	[tilespmem:$0xC990] =	vst v63  }
0x4f: {  	v0 =	vld.msk [tilespmem:s18+$0xC0 ss:$0x1], $0xff;
	_ =	sdelay $0x4  }
0x50: {  	vm2 =	vgt.s32 v0, $0x0  }
0x51: {  	v0 =	vnsel vm2, $0x0, v0  }
0x52: {  	v0 =	vmin.u32 v0, $0x270F  }
0x53: {  	v0 =	vshll.u32 v0, $0x4;
	_ =	sdelay $0x3  }
0x54: {  	s31 =	sadd.s32 $0x6190, s17  }
0x55: {  	[tilespmem:s31], [sflag:$0x1] =	stream.indirect_vreg.gather [hbm:s4], $0x80, v0, vm0, $0x38;
	[tilespmem:$0xC990] =	vst v63  }
0x56: {  	s13 =	sshll.u32 s13, $0x4;
	_ =	swait.ge [sflag:s7], $0x6400  }
0x57: {  	s13 =	sadd.s32 s13, s6;
	[sflag:s7] =	ssyncset.done $0x0  }
0x58: {  	s17 =	sadd.s32 $0x0, s13;
	s16 =	simm.s32 $0x80;
	[sflag:s7] =	ssyncadd.s32 $0xFFFF9C00  }
.LBB2_5:
0x59: {  	[hbm:s17] =	stream.linear.scatter [tilespmem:s14], [sflag:$0x3], $0x400, $0x38;
	[tilespmem:$0xC990] =	vst v63  }
0x5a: {  	s17 =	smov.u32 s16;
	s14 =	smov.u32 s15;
	p1 =	sne.s32 s16, $0xC00  }
.Ltmp4:
0x5b: {  	s16 =	sadd.s32 $0x80, s16;
	(pc) =	sbr.rel @p1 .LBB2_5-.Ltmp4, $2  }
0x5c: {  	_ =	sdelay $0x2  }
0x5d: {  	s15 =	sadd.s32 $0x400, s15;
	s17 =	sadd.s32 s17, s13  }
.Ltmp5:
0x5e: {  	_ = 	snop;
	(pc) =	sbr.rel .LBB2_6-.Ltmp5, $1  }
0x5f: {  	_ =	sdelay $0x3  }
.LBB2_8:
0x60: {  	_ =	sfence.sel $0x180000  }
0x61: {  	s1 =	simm.s32 $0x2;
	[bflag:$0x0] =	sbarrier.arrive $0xFFFF  }
0x62: {  	s30 =	simm.s32 $0x3;
	[sflag:s1] =	ssyncpa.u1 $0x1  }
0x63: {  	s31 =	simm.s32 $0x1;
	[sflag:s30] =	ssyncpa.u1 $0x1  }
0x64: {  	[sflag:s31] =	ssyncpa.u1 $0x1  }
0x65: {  	p0 =	sne.s32 s0, $0x0;
	_ =	strace $0x90000047  }
0x66: {  	s0 =	sadd.s32 @!p0 $0x100000, s2;
	[bflag:$0x2] =	sbarrier.arrive $0xFFFF  }
0x67: {  	[sflag:s0] =	ssyncadd.tile.s32 @!p0 $0x1;
	_ =	shalt  }
.Lfunc_end2:
_tile_overlayer_lowered:
.L_overlay_start_2:
0x68: {  	(tag) =	ssettag $0x2  }
0x69: {  	s0 =	rddreg [dreg:$0x0];
	s2 =	stileid.u32  }
0x6a: {  	s1 =	rddreg [dreg:$0x1];
	p0 =	sne.s32 s2, $0x0  }
0x6b: {  	s3 =	rddreg [dreg:$0x2];
	[bflag:$0x3] =	sbarrier.arrive $0xFFFF;
	s2 =	simm.s32 @!p0 $0x1C01  }
0x6c: {  	[timem:s3], [sflag:s2] =	dma.local @!p0 [hbm:s0], s1  }
0x6d: {  	s0 =	simm.s32 @!p0 $0x1  }
0x6e: {  	_ =	swait.ge @!p0 [sflag:s0], s1  }
0x6f: {  	s1 =	ssub.s32 @!p0 $0x0, s1;
	[sflag:s0] =	ssyncset.done @!p0 $0x0  }
0x70: {  	[sflag:s0] =	ssyncadd.s32 @!p0 s1  }
0x71: {  	[bflag:$0x3] =	sbarrier.arrive $0xFFFF  }
0x72: {  	_ =	shalt  }

</sc_bundles>
